<compile_context>
chip_gen: v7x
topology: tpu7x:2x2x1
jax: 0.10.2.dev20260603
libtpu: 0.0.44.dev20260713+nightly
codegen_flags: <defaults>
</compile_context>

<pallas_src>
import functools

import jax
import jax.numpy as jnp
from jax import lax
from jax.experimental import pallas as pl
from jax.experimental.pallas import tpu as pltpu
from jax.experimental.pallas import tpu_sc as plsc

N_VOCAB = 100000
D_MODEL = 128
BATCH = 4
SEQ = 8192

NUM_CORES = 2
NUM_SUBCORES = 16
NUM_WORKERS = NUM_CORES * NUM_SUBCORES
S_PER_W = SEQ // NUM_WORKERS
SUB = 128
SPB = S_PER_W // SUB
K = BATCH * SPB
LANES = 16
RING = 5
PRIME = 3

_mesh = plsc.VectorSubcoreMesh(core_axis_name="c", subcore_axis_name="s")


@functools.partial(
    pl.kernel,
    mesh=_mesh,
    out_type=jax.ShapeDtypeStruct((BATCH, SEQ, D_MODEL), jnp.float32),
    scratch_types=[
        pltpu.VMEM((K, SUB), jnp.int32),
        pltpu.VMEM((S_PER_W, D_MODEL), jnp.float32),
    ] + [pltpu.VMEM((SUB, D_MODEL), jnp.float32) for _ in range(RING)]
      + [pltpu.SemaphoreType.DMA for _ in range(2 * RING + 2)],
)
def _emb_kernel(x_hbm, emb_hbm, pos_hbm, out_hbm, idx_v, pos_v, *rest):
    bufs = rest[:RING]
    sems = rest[RING:]
    gsems = sems[:RING]
    osems = sems[RING:2 * RING]
    psem = sems[2 * RING]
    isem = sems[2 * RING + 1]

    wid = lax.axis_index("s") * NUM_CORES + lax.axis_index("c")
    s0 = wid * S_PER_W

    def stage_idx(k, sem):
        return pltpu.async_copy(
            x_hbm.at[k // SPB, pl.ds(s0 + (k % SPB) * SUB, SUB)],
            idx_v.at[k], sem)

    early = [stage_idx(k, osems[k]) for k in range(PRIME)]
    late = [stage_idx(k, isem) for k in range(PRIME, K)]

    pos_copy = pltpu.async_copy(pos_hbm.at[pl.ds(s0, S_PER_W)], pos_v, psem)

    def gather_block(k):
        return pltpu.async_copy(
            emb_hbm.at[idx_v.at[k]], bufs[k % RING], gsems[k % RING])

    gathers = [None] * RING
    outs = [None] * RING
    for k in range(PRIME):
        early[k].wait()
        gathers[k] = gather_block(k)

    for c in late:
        c.wait()
    pos_copy.wait()

    for k in range(K):
        sl = k % RING
        kp = k + PRIME
        if kp < K:
            ps = kp % RING
            if outs[ps] is not None:
                outs[ps].wait()
                outs[ps] = None
            gathers[ps] = gather_block(kp)

        cur = bufs[sl]
        gathers[sl].wait()

        def add_pos(r, carry, cur=cur, base=(k % SPB) * SUB):
            for cc in range(D_MODEL // LANES):
                c = cc * LANES
                cur[r, pl.ds(c, LANES)] = (
                    cur[r, pl.ds(c, LANES)] + pos_v[base + r, pl.ds(c, LANES)])
            return carry

        lax.fori_loop(0, SUB, add_pos, 0)

        outs[sl] = pltpu.async_copy(
            cur, out_hbm.at[k // SPB, pl.ds(s0 + (k % SPB) * SUB, SUB)],
            osems[sl])

    for sl in range(RING):
        if outs[sl] is not None:
            outs[sl].wait()


def kernel(x, emb, pos_emb):
    return _emb_kernel(x.astype(jnp.int32), emb, pos_emb)

# --- scband reference (transcript-rebuilt; emitter-appended) ---
"""Pipeline reference for scband-remi-embedding-21612275433832 (READ-ONLY COPY).

The authoritative reference and input builder live on the scoring server;
editing this copy changes nothing except your own understanding.
"""

import jax, jax.numpy as jnp
import numpy as np

N_VOCAB = 100000
D_MODEL = 128
MAX_LEN = 8192
BATCH = 4
SEQ = 8192

def setup_inputs(seed: int = 0) -> dict:
    key = jax.random.key(seed)
    k1, k2, k3 = jax.random.split(key, 3)
    x = jax.random.randint(k1, (BATCH, SEQ), 0, N_VOCAB, dtype=jnp.int64 if jax.config.jax_enable_x64 else jnp.int32)
    emb = jax.random.normal(k2, (N_VOCAB, D_MODEL), dtype=jnp.float32) * 0.02
    pos_emb = jax.random.normal(k3, (MAX_LEN, D_MODEL), dtype=jnp.float32) * 0.02
    return {"x": x, "emb": emb, "pos_emb": pos_emb}

def reference(x, emb, pos_emb):
    # h = self.emb(x)
    h = jnp.take(emb, x, axis=0)  # [B, S, D]
    # pos = arange(S) repeated over batch; h += self.pos_emb(pos)
    pos = jnp.arange(h.shape[1])[None, :].repeat(h.shape[0], axis=0)  # [B, S]
    h = h + jnp.take(pos_emb, pos, axis=0)
    # dropout is identity in eval mode
    return h

if __name__ == "__main__":
    import jax
    _d = setup_inputs()
    print(jax.jit(kernel)(*tuple(_d.values())))

</pallas_src>

<mosaic_0001>
#map = affine_map<(d0, d1) -> (0, 0)>
#map1 = affine_map<(d0, d1) -> (0, 0, 0)>
module attributes {stable_mosaic.version = 14 : i64} {
  func.func @_emb_kernel(%arg0: i32, %arg1: i32, %arg2: memref<4x8192xi32, #tpu.memory_space<hbm>>, %arg3: memref<100000x128xf32, #tpu.memory_space<hbm>>, %arg4: memref<8192x128xf32, #tpu.memory_space<hbm>>, %arg5: memref<4x8192x128xf32, #tpu.memory_space<hbm>>, %arg6: memref<8x128xi32, #tpu.memory_space<vmem>>, %arg7: memref<256x128xf32, #tpu.memory_space<vmem>>, %arg8: memref<128x128xf32, #tpu.memory_space<vmem>>, %arg9: memref<128x128xf32, #tpu.memory_space<vmem>>, %arg10: memref<128x128xf32, #tpu.memory_space<vmem>>, %arg11: memref<128x128xf32, #tpu.memory_space<vmem>>, %arg12: memref<128x128xf32, #tpu.memory_space<vmem>>, %arg13: memref<!tpu.dma_semaphore, #tpu.memory_space<semaphore_mem>>, %arg14: memref<!tpu.dma_semaphore, #tpu.memory_space<semaphore_mem>>, %arg15: memref<!tpu.dma_semaphore, #tpu.memory_space<semaphore_mem>>, %arg16: memref<!tpu.dma_semaphore, #tpu.memory_space<semaphore_mem>>, %arg17: memref<!tpu.dma_semaphore, #tpu.memory_space<semaphore_mem>>, %arg18: memref<!tpu.dma_semaphore, #tpu.memory_space<semaphore_mem>>, %arg19: memref<!tpu.dma_semaphore, #tpu.memory_space<semaphore_mem>>, %arg20: memref<!tpu.dma_semaphore, #tpu.memory_space<semaphore_mem>>, %arg21: memref<!tpu.dma_semaphore, #tpu.memory_space<semaphore_mem>>, %arg22: memref<!tpu.dma_semaphore, #tpu.memory_space<semaphore_mem>>, %arg23: memref<!tpu.dma_semaphore, #tpu.memory_space<semaphore_mem>>, %arg24: memref<!tpu.dma_semaphore, #tpu.memory_space<semaphore_mem>>) attributes {dimension_semantics = [#tpu.dimension_semantics<core_parallel>, #tpu.dimension_semantics<subcore_parallel>], iteration_bounds = array<i64: 2, 16>, scalar_prefetch = 0 : i64, scratch_operands = 19 : i64, tpu.core_type = #tpu.core_type<sc_vector_subcore>, window_params = [{transform_indices = #map}, {transform_indices = #map}, {transform_indices = #map}, {transform_indices = #map1}]} {
    %mul3A = arith.constant 2 : i32
    %mul3A_0 = arith.muli %arg1, %mul3A : i32
    %add3A = arith.addi %mul3A_0, %arg0 : i32
    %mul3A_1 = arith.constant 256 : i32
    %mul3A_2 = arith.muli %add3A, %mul3A_1 : i32
    %add3A_3 = arith.constant 0 : i32
    %add3A_4 = arith.addi %mul3A_2, %add3A_3 : i32
    %dma_start3A = arith.constant 0 : i32
    %dma_start3A_5 = arith.constant 0 : i32
    %dma_start3A_6 = arith.constant 0 : i32
    %dma_start3A_7 = tpu.memref_slice %arg6[%dma_start3A_5, %dma_start3A_6] : memref<8x128xi32, #tpu.memory_space<vmem>> -> memref<1x128xi32, #tpu.memory_space<vmem>>
    %dma_start3A_8 = tpu.memref_squeeze %dma_start3A_7 : memref<1x128xi32, #tpu.memory_space<vmem>> -> memref<128xi32, #tpu.memory_space<vmem>>
    %dma_start3A_9 = tpu.memref_slice %arg2[%dma_start3A, %add3A_4] : memref<4x8192xi32, #tpu.memory_space<hbm>> -> memref<1x128xi32, #tpu.memory_space<hbm>>
    %dma_start3A_10 = tpu.memref_squeeze %dma_start3A_9 : memref<1x128xi32, #tpu.memory_space<hbm>> -> memref<128xi32, #tpu.memory_space<hbm>>
    %dma_start3A_11 = arith.constant 0 : i32
    %dma_start3A_12 = tpu.memref_slice %arg6[%dma_start3A_5, %dma_start3A_11] : memref<8x128xi32, #tpu.memory_space<vmem>> -> memref<1x128xi32, #tpu.memory_space<vmem>>
    %dma_start3A_13 = tpu.memref_squeeze %dma_start3A_12 : memref<1x128xi32, #tpu.memory_space<vmem>> -> memref<128xi32, #tpu.memory_space<vmem>>
    %dma_start3A_14 = tpu.memref_slice %arg2[%dma_start3A, %add3A_4] : memref<4x8192xi32, #tpu.memory_space<hbm>> -> memref<1x128xi32, #tpu.memory_space<hbm>>
    %dma_start3A_15 = tpu.memref_squeeze %dma_start3A_14 : memref<1x128xi32, #tpu.memory_space<hbm>> -> memref<128xi32, #tpu.memory_space<hbm>>
    tpu.enqueue_dma source(%dma_start3A_15 : memref<128xi32, #tpu.memory_space<hbm>>) target(%dma_start3A_13 : memref<128xi32, #tpu.memory_space<vmem>>) target_semaphore(%arg18 : memref<!tpu.dma_semaphore, #tpu.memory_space<semaphore_mem>>)
    %add3A_16 = arith.constant 128 : i32
    %add3A_17 = arith.addi %mul3A_2, %add3A_16 : i32
    %dma_start3A_18 = arith.constant 0 : i32
    %dma_start3A_19 = arith.constant 1 : i32
    %dma_start3A_20 = arith.constant 0 : i32
    %dma_start3A_21 = tpu.memref_slice %arg6[%dma_start3A_19, %dma_start3A_20] : memref<8x128xi32, #tpu.memory_space<vmem>> -> memref<1x128xi32, #tpu.memory_space<vmem>>
    %dma_start3A_22 = tpu.memref_squeeze %dma_start3A_21 : memref<1x128xi32, #tpu.memory_space<vmem>> -> memref<128xi32, #tpu.memory_space<vmem>>
    %dma_start3A_23 = tpu.memref_slice %arg2[%dma_start3A_18, %add3A_17] : memref<4x8192xi32, #tpu.memory_space<hbm>> -> memref<1x128xi32, #tpu.memory_space<hbm>>
    %dma_start3A_24 = tpu.memref_squeeze %dma_start3A_23 : memref<1x128xi32, #tpu.memory_space<hbm>> -> memref<128xi32, #tpu.memory_space<hbm>>
    %dma_start3A_25 = arith.constant 0 : i32
    %dma_start3A_26 = tpu.memref_slice %arg6[%dma_start3A_19, %dma_start3A_25] : memref<8x128xi32, #tpu.memory_space<vmem>> -> memref<1x128xi32, #tpu.memory_space<vmem>>
    %dma_start3A_27 = tpu.memref_squeeze %dma_start3A_26 : memref<1x128xi32, #tpu.memory_space<vmem>> -> memref<128xi32, #tpu.memory_space<vmem>>
    %dma_start3A_28 = tpu.memref_slice %arg2[%dma_start3A_18, %add3A_17] : memref<4x8192xi32, #tpu.memory_space<hbm>> -> memref<1x128xi32, #tpu.memory_space<hbm>>
    %dma_start3A_29 = tpu.memref_squeeze %dma_start3A_28 : memref<1x128xi32, #tpu.memory_space<hbm>> -> memref<128xi32, #tpu.memory_space<hbm>>
    tpu.enqueue_dma source(%dma_start3A_29 : memref<128xi32, #tpu.memory_space<hbm>>) target(%dma_start3A_27 : memref<128xi32, #tpu.memory_space<vmem>>) target_semaphore(%arg19 : memref<!tpu.dma_semaphore, #tpu.memory_space<semaphore_mem>>)
    %add3A_30 = arith.constant 0 : i32
    %add3A_31 = arith.addi %mul3A_2, %add3A_30 : i32
    %dma_start3A_32 = arith.constant 1 : i32
    %dma_start3A_33 = arith.constant 2 : i32
    %dma_start3A_34 = arith.constant 0 : i32
    %dma_start3A_35 = tpu.memref_slice %arg6[%dma_start3A_33, %dma_start3A_34] : memref<8x128xi32, #tpu.memory_space<vmem>> -> memref<1x128xi32, #tpu.memory_space<vmem>>
    %dma_start3A_36 = tpu.memref_squeeze %dma_start3A_35 : memref<1x128xi32, #tpu.memory_space<vmem>> -> memref<128xi32, #tpu.memory_space<vmem>>
    %dma_start3A_37 = tpu.memref_slice %arg2[%dma_start3A_32, %add3A_31] : memref<4x8192xi32, #tpu.memory_space<hbm>> -> memref<1x128xi32, #tpu.memory_space<hbm>>
    %dma_start3A_38 = tpu.memref_squeeze %dma_start3A_37 : memref<1x128xi32, #tpu.memory_space<hbm>> -> memref<128xi32, #tpu.memory_space<hbm>>
    %dma_start3A_39 = arith.constant 0 : i32
    %dma_start3A_40 = tpu.memref_slice %arg6[%dma_start3A_33, %dma_start3A_39] : memref<8x128xi32, #tpu.memory_space<vmem>> -> memref<1x128xi32, #tpu.memory_space<vmem>>
    %dma_start3A_41 = tpu.memref_squeeze %dma_start3A_40 : memref<1x128xi32, #tpu.memory_space<vmem>> -> memref<128xi32, #tpu.memory_space<vmem>>
    %dma_start3A_42 = tpu.memref_slice %arg2[%dma_start3A_32, %add3A_31] : memref<4x8192xi32, #tpu.memory_space<hbm>> -> memref<1x128xi32, #tpu.memory_space<hbm>>
    %dma_start3A_43 = tpu.memref_squeeze %dma_start3A_42 : memref<1x128xi32, #tpu.memory_space<hbm>> -> memref<128xi32, #tpu.memory_space<hbm>>
    tpu.enqueue_dma source(%dma_start3A_43 : memref<128xi32, #tpu.memory_space<hbm>>) target(%dma_start3A_41 : memref<128xi32, #tpu.memory_space<vmem>>) target_semaphore(%arg20 : memref<!tpu.dma_semaphore, #tpu.memory_space<semaphore_mem>>)
    %add3A_44 = arith.constant 128 : i32
    %add3A_45 = arith.addi %mul3A_2, %add3A_44 : i32
    %dma_start3A_46 = arith.constant 1 : i32
    %dma_start3A_47 = arith.constant 3 : i32
    %dma_start3A_48 = arith.constant 0 : i32
    %dma_start3A_49 = tpu.memref_slice %arg6[%dma_start3A_47, %dma_start3A_48] : memref<8x128xi32, #tpu.memory_space<vmem>> -> memref<1x128xi32, #tpu.memory_space<vmem>>
    %dma_start3A_50 = tpu.memref_squeeze %dma_start3A_49 : memref<1x128xi32, #tpu.memory_space<vmem>> -> memref<128xi32, #tpu.memory_space<vmem>>
    %dma_start3A_51 = tpu.memref_slice %arg2[%dma_start3A_46, %add3A_45] : memref<4x8192xi32, #tpu.memory_space<hbm>> -> memref<1x128xi32, #tpu.memory_space<hbm>>
    %dma_start3A_52 = tpu.memref_squeeze %dma_start3A_51 : memref<1x128xi32, #tpu.memory_space<hbm>> -> memref<128xi32, #tpu.memory_space<hbm>>
    %dma_start3A_53 = arith.constant 0 : i32
    %dma_start3A_54 = tpu.memref_slice %arg6[%dma_start3A_47, %dma_start3A_53] : memref<8x128xi32, #tpu.memory_space<vmem>> -> memref<1x128xi32, #tpu.memory_space<vmem>>
    %dma_start3A_55 = tpu.memref_squeeze %dma_start3A_54 : memref<1x128xi32, #tpu.memory_space<vmem>> -> memref<128xi32, #tpu.memory_space<vmem>>
    %dma_start3A_56 = tpu.memref_slice %arg2[%dma_start3A_46, %add3A_45] : memref<4x8192xi32, #tpu.memory_space<hbm>> -> memref<1x128xi32, #tpu.memory_space<hbm>>
    %dma_start3A_57 = tpu.memref_squeeze %dma_start3A_56 : memref<1x128xi32, #tpu.memory_space<hbm>> -> memref<128xi32, #tpu.memory_space<hbm>>
    tpu.enqueue_dma source(%dma_start3A_57 : memref<128xi32, #tpu.memory_space<hbm>>) target(%dma_start3A_55 : memref<128xi32, #tpu.memory_space<vmem>>) target_semaphore(%arg24 : memref<!tpu.dma_semaphore, #tpu.memory_space<semaphore_mem>>)
    %add3A_58 = arith.constant 0 : i32
    %add3A_59 = arith.addi %mul3A_2, %add3A_58 : i32
    %dma_start3A_60 = arith.constant 2 : i32
    %dma_start3A_61 = arith.constant 4 : i32
    %dma_start3A_62 = arith.constant 0 : i32
    %dma_start3A_63 = tpu.memref_slice %arg6[%dma_start3A_61, %dma_start3A_62] : memref<8x128xi32, #tpu.memory_space<vmem>> -> memref<1x128xi32, #tpu.memory_space<vmem>>
    %dma_start3A_64 = tpu.memref_squeeze %dma_start3A_63 : memref<1x128xi32, #tpu.memory_space<vmem>> -> memref<128xi32, #tpu.memory_space<vmem>>
    %dma_start3A_65 = tpu.memref_slice %arg2[%dma_start3A_60, %add3A_59] : memref<4x8192xi32, #tpu.memory_space<hbm>> -> memref<1x128xi32, #tpu.memory_space<hbm>>
    %dma_start3A_66 = tpu.memref_squeeze %dma_start3A_65 : memref<1x128xi32, #tpu.memory_space<hbm>> -> memref<128xi32, #tpu.memory_space<hbm>>
    %dma_start3A_67 = arith.constant 0 : i32
    %dma_start3A_68 = tpu.memref_slice %arg6[%dma_start3A_61, %dma_start3A_67] : memref<8x128xi32, #tpu.memory_space<vmem>> -> memref<1x128xi32, #tpu.memory_space<vmem>>
    %dma_start3A_69 = tpu.memref_squeeze %dma_start3A_68 : memref<1x128xi32, #tpu.memory_space<vmem>> -> memref<128xi32, #tpu.memory_space<vmem>>
    %dma_start3A_70 = tpu.memref_slice %arg2[%dma_start3A_60, %add3A_59] : memref<4x8192xi32, #tpu.memory_space<hbm>> -> memref<1x128xi32, #tpu.memory_space<hbm>>
    %dma_start3A_71 = tpu.memref_squeeze %dma_start3A_70 : memref<1x128xi32, #tpu.memory_space<hbm>> -> memref<128xi32, #tpu.memory_space<hbm>>
    tpu.enqueue_dma source(%dma_start3A_71 : memref<128xi32, #tpu.memory_space<hbm>>) target(%dma_start3A_69 : memref<128xi32, #tpu.memory_space<vmem>>) target_semaphore(%arg24 : memref<!tpu.dma_semaphore, #tpu.memory_space<semaphore_mem>>)
    %add3A_72 = arith.constant 128 : i32
    %add3A_73 = arith.addi %mul3A_2, %add3A_72 : i32
    %dma_start3A_74 = arith.constant 2 : i32
    %dma_start3A_75 = arith.constant 5 : i32
    %dma_start3A_76 = arith.constant 0 : i32
    %dma_start3A_77 = tpu.memref_slice %arg6[%dma_start3A_75, %dma_start3A_76] : memref<8x128xi32, #tpu.memory_space<vmem>> -> memref<1x128xi32, #tpu.memory_space<vmem>>
    %dma_start3A_78 = tpu.memref_squeeze %dma_start3A_77 : memref<1x128xi32, #tpu.memory_space<vmem>> -> memref<128xi32, #tpu.memory_space<vmem>>
    %dma_start3A_79 = tpu.memref_slice %arg2[%dma_start3A_74, %add3A_73] : memref<4x8192xi32, #tpu.memory_space<hbm>> -> memref<1x128xi32, #tpu.memory_space<hbm>>
    %dma_start3A_80 = tpu.memref_squeeze %dma_start3A_79 : memref<1x128xi32, #tpu.memory_space<hbm>> -> memref<128xi32, #tpu.memory_space<hbm>>
    %dma_start3A_81 = arith.constant 0 : i32
    %dma_start3A_82 = tpu.memref_slice %arg6[%dma_start3A_75, %dma_start3A_81] : memref<8x128xi32, #tpu.memory_space<vmem>> -> memref<1x128xi32, #tpu.memory_space<vmem>>
    %dma_start3A_83 = tpu.memref_squeeze %dma_start3A_82 : memref<1x128xi32, #tpu.memory_space<vmem>> -> memref<128xi32, #tpu.memory_space<vmem>>
    %dma_start3A_84 = tpu.memref_slice %arg2[%dma_start3A_74, %add3A_73] : memref<4x8192xi32, #tpu.memory_space<hbm>> -> memref<1x128xi32, #tpu.memory_space<hbm>>
    %dma_start3A_85 = tpu.memref_squeeze %dma_start3A_84 : memref<1x128xi32, #tpu.memory_space<hbm>> -> memref<128xi32, #tpu.memory_space<hbm>>
    tpu.enqueue_dma source(%dma_start3A_85 : memref<128xi32, #tpu.memory_space<hbm>>) target(%dma_start3A_83 : memref<128xi32, #tpu.memory_space<vmem>>) target_semaphore(%arg24 : memref<!tpu.dma_semaphore, #tpu.memory_space<semaphore_mem>>)
    %add3A_86 = arith.constant 0 : i32
    %add3A_87 = arith.addi %mul3A_2, %add3A_86 : i32
    %dma_start3A_88 = arith.constant 3 : i32
    %dma_start3A_89 = arith.constant 6 : i32
    %dma_start3A_90 = arith.constant 0 : i32
    %dma_start3A_91 = tpu.memref_slice %arg6[%dma_start3A_89, %dma_start3A_90] : memref<8x128xi32, #tpu.memory_space<vmem>> -> memref<1x128xi32, #tpu.memory_space<vmem>>
    %dma_start3A_92 = tpu.memref_squeeze %dma_start3A_91 : memref<1x128xi32, #tpu.memory_space<vmem>> -> memref<128xi32, #tpu.memory_space<vmem>>
    %dma_start3A_93 = tpu.memref_slice %arg2[%dma_start3A_88, %add3A_87] : memref<4x8192xi32, #tpu.memory_space<hbm>> -> memref<1x128xi32, #tpu.memory_space<hbm>>
    %dma_start3A_94 = tpu.memref_squeeze %dma_start3A_93 : memref<1x128xi32, #tpu.memory_space<hbm>> -> memref<128xi32, #tpu.memory_space<hbm>>
    %dma_start3A_95 = arith.constant 0 : i32
    %dma_start3A_96 = tpu.memref_slice %arg6[%dma_start3A_89, %dma_start3A_95] : memref<8x128xi32, #tpu.memory_space<vmem>> -> memref<1x128xi32, #tpu.memory_space<vmem>>
    %dma_start3A_97 = tpu.memref_squeeze %dma_start3A_96 : memref<1x128xi32, #tpu.memory_space<vmem>> -> memref<128xi32, #tpu.memory_space<vmem>>
    %dma_start3A_98 = tpu.memref_slice %arg2[%dma_start3A_88, %add3A_87] : memref<4x8192xi32, #tpu.memory_space<hbm>> -> memref<1x128xi32, #tpu.memory_space<hbm>>
    %dma_start3A_99 = tpu.memref_squeeze %dma_start3A_98 : memref<1x128xi32, #tpu.memory_space<hbm>> -> memref<128xi32, #tpu.memory_space<hbm>>
    tpu.enqueue_dma source(%dma_start3A_99 : memref<128xi32, #tpu.memory_space<hbm>>) target(%dma_start3A_97 : memref<128xi32, #tpu.memory_space<vmem>>) target_semaphore(%arg24 : memref<!tpu.dma_semaphore, #tpu.memory_space<semaphore_mem>>)
    %add3A_100 = arith.constant 128 : i32
    %add3A_101 = arith.addi %mul3A_2, %add3A_100 : i32
    %dma_start3A_102 = arith.constant 3 : i32
    %dma_start3A_103 = arith.constant 7 : i32
    %dma_start3A_104 = arith.constant 0 : i32
    %dma_start3A_105 = tpu.memref_slice %arg6[%dma_start3A_103, %dma_start3A_104] : memref<8x128xi32, #tpu.memory_space<vmem>> -> memref<1x128xi32, #tpu.memory_space<vmem>>
    %dma_start3A_106 = tpu.memref_squeeze %dma_start3A_105 : memref<1x128xi32, #tpu.memory_space<vmem>> -> memref<128xi32, #tpu.memory_space<vmem>>
    %dma_start3A_107 = tpu.memref_slice %arg2[%dma_start3A_102, %add3A_101] : memref<4x8192xi32, #tpu.memory_space<hbm>> -> memref<1x128xi32, #tpu.memory_space<hbm>>
    %dma_start3A_108 = tpu.memref_squeeze %dma_start3A_107 : memref<1x128xi32, #tpu.memory_space<hbm>> -> memref<128xi32, #tpu.memory_space<hbm>>
    %dma_start3A_109 = arith.constant 0 : i32
    %dma_start3A_110 = tpu.memref_slice %arg6[%dma_start3A_103, %dma_start3A_109] : memref<8x128xi32, #tpu.memory_space<vmem>> -> memref<1x128xi32, #tpu.memory_space<vmem>>
    %dma_start3A_111 = tpu.memref_squeeze %dma_start3A_110 : memref<1x128xi32, #tpu.memory_space<vmem>> -> memref<128xi32, #tpu.memory_space<vmem>>
    %dma_start3A_112 = tpu.memref_slice %arg2[%dma_start3A_102, %add3A_101] : memref<4x8192xi32, #tpu.memory_space<hbm>> -> memref<1x128xi32, #tpu.memory_space<hbm>>
    %dma_start3A_113 = tpu.memref_squeeze %dma_start3A_112 : memref<1x128xi32, #tpu.memory_space<hbm>> -> memref<128xi32, #tpu.memory_space<hbm>>
    tpu.enqueue_dma source(%dma_start3A_113 : memref<128xi32, #tpu.memory_space<hbm>>) target(%dma_start3A_111 : memref<128xi32, #tpu.memory_space<vmem>>) target_semaphore(%arg24 : memref<!tpu.dma_semaphore, #tpu.memory_space<semaphore_mem>>)
    %dma_start3A_114 = arith.constant 0 : i32
    %dma_start3A_115 = tpu.memref_slice %arg4[%mul3A_2, %dma_start3A_114] : memref<8192x128xf32, #tpu.memory_space<hbm>> -> memref<256x128xf32, #tpu.memory_space<hbm>>
    %dma_start3A_116 = arith.constant 0 : i32
    %dma_start3A_117 = tpu.memref_slice %arg4[%mul3A_2, %dma_start3A_116] : memref<8192x128xf32, #tpu.memory_space<hbm>> -> memref<256x128xf32, #tpu.memory_space<hbm>>
    tpu.enqueue_dma source(%dma_start3A_117 : memref<256x128xf32, #tpu.memory_space<hbm>>) target(%arg7 : memref<256x128xf32, #tpu.memory_space<vmem>>) target_semaphore(%arg23 : memref<!tpu.dma_semaphore, #tpu.memory_space<semaphore_mem>>)
    %dma_wait3A = arith.constant 0 : i32
    %dma_wait3A_118 = arith.constant 0 : i32
    %dma_wait3A_119 = arith.constant 0 : i32
    %dma_wait3A_120 = tpu.memref_slice %arg6[%dma_wait3A_118, %dma_wait3A_119] : memref<8x128xi32, #tpu.memory_space<vmem>> -> memref<1x128xi32, #tpu.memory_space<vmem>>
    %dma_wait3A_121 = tpu.memref_squeeze %dma_wait3A_120 : memref<1x128xi32, #tpu.memory_space<vmem>> -> memref<128xi32, #tpu.memory_space<vmem>>
    %dma_wait3A_122 = tpu.memref_slice %arg2[%dma_wait3A, %add3A_4] : memref<4x8192xi32, #tpu.memory_space<hbm>> -> memref<1x128xi32, #tpu.memory_space<hbm>>
    %dma_wait3A_123 = tpu.memref_squeeze %dma_wait3A_122 : memref<1x128xi32, #tpu.memory_space<hbm>> -> memref<128xi32, #tpu.memory_space<hbm>>
    %dma_wait3A_124 = arith.constant 0 : i32
    %dma_wait3A_125 = tpu.memref_slice %arg6[%dma_wait3A_118, %dma_wait3A_124] : memref<8x128xi32, #tpu.memory_space<vmem>> -> memref<1x128xi32, #tpu.memory_space<vmem>>
    %dma_wait3A_126 = tpu.memref_squeeze %dma_wait3A_125 : memref<1x128xi32, #tpu.memory_space<vmem>> -> memref<128xi32, #tpu.memory_space<vmem>>
    %dma_wait3A_127 = tpu.memref_slice %arg2[%dma_wait3A, %add3A_4] : memref<4x8192xi32, #tpu.memory_space<hbm>> -> memref<1x128xi32, #tpu.memory_space<hbm>>
    %dma_wait3A_128 = tpu.memref_squeeze %dma_wait3A_127 : memref<1x128xi32, #tpu.memory_space<hbm>> -> memref<128xi32, #tpu.memory_space<hbm>>
    tpu.wait_dma2 semaphore(%arg18 : memref<!tpu.dma_semaphore, #tpu.memory_space<semaphore_mem>>) src(%dma_wait3A_128 : memref<128xi32, #tpu.memory_space<hbm>>) dst(%dma_wait3A_126 : memref<128xi32, #tpu.memory_space<vmem>>)
    %dma_start3A_129 = arith.constant 0 : i32
    %dma_start3A_130 = arith.constant 0 : i32
    %dma_start3A_131 = tpu.memref_slice %arg6[%dma_start3A_129, %dma_start3A_130] : memref<8x128xi32, #tpu.memory_space<vmem>> -> memref<1x128xi32, #tpu.memory_space<vmem>>
    %dma_start3A_132 = tpu.memref_squeeze %dma_start3A_131 : memref<1x128xi32, #tpu.memory_space<vmem>> -> memref<128xi32, #tpu.memory_space<vmem>>
    %dma_start3A_133 = arith.constant 0 : i32
    %dma_start3A_134 = arith.constant 0 : i32
    %dma_start3A_135 = tpu.memref_slice %arg3[%dma_start3A_133, %dma_start3A_134] : memref<100000x128xf32, #tpu.memory_space<hbm>> -> memref<100000x128xf32, #tpu.memory_space<hbm>>
    tpu.enqueue_indirect_dma source(%dma_start3A_135 : memref<100000x128xf32, #tpu.memory_space<hbm>>) target(%arg8 : memref<128x128xf32, #tpu.memory_space<vmem>>) offsets(%dma_start3A_132 : memref<128xi32, #tpu.memory_space<vmem>>) semaphore(%arg13 : memref<!tpu.dma_semaphore, #tpu.memory_space<semaphore_mem>>)
    %dma_wait3A_136 = arith.constant 0 : i32
    %dma_wait3A_137 = arith.constant 1 : i32
    %dma_wait3A_138 = arith.constant 0 : i32
    %dma_wait3A_139 = tpu.memref_slice %arg6[%dma_wait3A_137, %dma_wait3A_138] : memref<8x128xi32, #tpu.memory_space<vmem>> -> memref<1x128xi32, #tpu.memory_space<vmem>>
    %dma_wait3A_140 = tpu.memref_squeeze %dma_wait3A_139 : memref<1x128xi32, #tpu.memory_space<vmem>> -> memref<128xi32, #tpu.memory_space<vmem>>
    %dma_wait3A_141 = tpu.memref_slice %arg2[%dma_wait3A_136, %add3A_17] : memref<4x8192xi32, #tpu.memory_space<hbm>> -> memref<1x128xi32, #tpu.memory_space<hbm>>
    %dma_wait3A_142 = tpu.memref_squeeze %dma_wait3A_141 : memref<1x128xi32, #tpu.memory_space<hbm>> -> memref<128xi32, #tpu.memory_space<hbm>>
    %dma_wait3A_143 = arith.constant 0 : i32
    %dma_wait3A_144 = tpu.memref_slice %arg6[%dma_wait3A_137, %dma_wait3A_143] : memref<8x128xi32, #tpu.memory_space<vmem>> -> memref<1x128xi32, #tpu.memory_space<vmem>>
    %dma_wait3A_145 = tpu.memref_squeeze %dma_wait3A_144 : memref<1x128xi32, #tpu.memory_space<vmem>> -> memref<128xi32, #tpu.memory_space<vmem>>
    %dma_wait3A_146 = tpu.memref_slice %arg2[%dma_wait3A_136, %add3A_17] : memref<4x8192xi32, #tpu.memory_space<hbm>> -> memref<1x128xi32, #tpu.memory_space<hbm>>
    %dma_wait3A_147 = tpu.memref_squeeze %dma_wait3A_146 : memref<1x128xi32, #tpu.memory_space<hbm>> -> memref<128xi32, #tpu.memory_space<hbm>>
    tpu.wait_dma2 semaphore(%arg19 : memref<!tpu.dma_semaphore, #tpu.memory_space<semaphore_mem>>) src(%dma_wait3A_147 : memref<128xi32, #tpu.memory_space<hbm>>) dst(%dma_wait3A_145 : memref<128xi32, #tpu.memory_space<vmem>>)
    %dma_start3A_148 = arith.constant 1 : i32
    %dma_start3A_149 = arith.constant 0 : i32
    %dma_start3A_150 = tpu.memref_slice %arg6[%dma_start3A_148, %dma_start3A_149] : memref<8x128xi32, #tpu.memory_space<vmem>> -> memref<1x128xi32, #tpu.memory_space<vmem>>
    %dma_start3A_151 = tpu.memref_squeeze %dma_start3A_150 : memref<1x128xi32, #tpu.memory_space<vmem>> -> memref<128xi32, #tpu.memory_space<vmem>>
    %dma_start3A_152 = arith.constant 0 : i32
    %dma_start3A_153 = arith.constant 0 : i32
    %dma_start3A_154 = tpu.memref_slice %arg3[%dma_start3A_152, %dma_start3A_153] : memref<100000x128xf32, #tpu.memory_space<hbm>> -> memref<100000x128xf32, #tpu.memory_space<hbm>>
    tpu.enqueue_indirect_dma source(%dma_start3A_154 : memref<100000x128xf32, #tpu.memory_space<hbm>>) target(%arg9 : memref<128x128xf32, #tpu.memory_space<vmem>>) offsets(%dma_start3A_151 : memref<128xi32, #tpu.memory_space<vmem>>) semaphore(%arg14 : memref<!tpu.dma_semaphore, #tpu.memory_space<semaphore_mem>>)
    %dma_wait3A_155 = arith.constant 1 : i32
    %dma_wait3A_156 = arith.constant 2 : i32
    %dma_wait3A_157 = arith.constant 0 : i32
    %dma_wait3A_158 = tpu.memref_slice %arg6[%dma_wait3A_156, %dma_wait3A_157] : memref<8x128xi32, #tpu.memory_space<vmem>> -> memref<1x128xi32, #tpu.memory_space<vmem>>
    %dma_wait3A_159 = tpu.memref_squeeze %dma_wait3A_158 : memref<1x128xi32, #tpu.memory_space<vmem>> -> memref<128xi32, #tpu.memory_space<vmem>>
    %dma_wait3A_160 = tpu.memref_slice %arg2[%dma_wait3A_155, %add3A_31] : memref<4x8192xi32, #tpu.memory_space<hbm>> -> memref<1x128xi32, #tpu.memory_space<hbm>>
    %dma_wait3A_161 = tpu.memref_squeeze %dma_wait3A_160 : memref<1x128xi32, #tpu.memory_space<hbm>> -> memref<128xi32, #tpu.memory_space<hbm>>
    %dma_wait3A_162 = arith.constant 0 : i32
    %dma_wait3A_163 = tpu.memref_slice %arg6[%dma_wait3A_156, %dma_wait3A_162] : memref<8x128xi32, #tpu.memory_space<vmem>> -> memref<1x128xi32, #tpu.memory_space<vmem>>
    %dma_wait3A_164 = tpu.memref_squeeze %dma_wait3A_163 : memref<1x128xi32, #tpu.memory_space<vmem>> -> memref<128xi32, #tpu.memory_space<vmem>>
    %dma_wait3A_165 = tpu.memref_slice %arg2[%dma_wait3A_155, %add3A_31] : memref<4x8192xi32, #tpu.memory_space<hbm>> -> memref<1x128xi32, #tpu.memory_space<hbm>>
    %dma_wait3A_166 = tpu.memref_squeeze %dma_wait3A_165 : memref<1x128xi32, #tpu.memory_space<hbm>> -> memref<128xi32, #tpu.memory_space<hbm>>
    tpu.wait_dma2 semaphore(%arg20 : memref<!tpu.dma_semaphore, #tpu.memory_space<semaphore_mem>>) src(%dma_wait3A_166 : memref<128xi32, #tpu.memory_space<hbm>>) dst(%dma_wait3A_164 : memref<128xi32, #tpu.memory_space<vmem>>)
    %dma_start3A_167 = arith.constant 2 : i32
    %dma_start3A_168 = arith.constant 0 : i32
    %dma_start3A_169 = tpu.memref_slice %arg6[%dma_start3A_167, %dma_start3A_168] : memref<8x128xi32, #tpu.memory_space<vmem>> -> memref<1x128xi32, #tpu.memory_space<vmem>>
    %dma_start3A_170 = tpu.memref_squeeze %dma_start3A_169 : memref<1x128xi32, #tpu.memory_space<vmem>> -> memref<128xi32, #tpu.memory_space<vmem>>
    %dma_start3A_171 = arith.constant 0 : i32
    %dma_start3A_172 = arith.constant 0 : i32
    %dma_start3A_173 = tpu.memref_slice %arg3[%dma_start3A_171, %dma_start3A_172] : memref<100000x128xf32, #tpu.memory_space<hbm>> -> memref<100000x128xf32, #tpu.memory_space<hbm>>
    tpu.enqueue_indirect_dma source(%dma_start3A_173 : memref<100000x128xf32, #tpu.memory_space<hbm>>) target(%arg10 : memref<128x128xf32, #tpu.memory_space<vmem>>) offsets(%dma_start3A_170 : memref<128xi32, #tpu.memory_space<vmem>>) semaphore(%arg15 : memref<!tpu.dma_semaphore, #tpu.memory_space<semaphore_mem>>)
    %dma_wait3A_174 = arith.constant 1 : i32
    %dma_wait3A_175 = arith.constant 3 : i32
    %dma_wait3A_176 = arith.constant 0 : i32
    %dma_wait3A_177 = tpu.memref_slice %arg6[%dma_wait3A_175, %dma_wait3A_176] : memref<8x128xi32, #tpu.memory_space<vmem>> -> memref<1x128xi32, #tpu.memory_space<vmem>>
    %dma_wait3A_178 = tpu.memref_squeeze %dma_wait3A_177 : memref<1x128xi32, #tpu.memory_space<vmem>> -> memref<128xi32, #tpu.memory_space<vmem>>
    %dma_wait3A_179 = tpu.memref_slice %arg2[%dma_wait3A_174, %add3A_45] : memref<4x8192xi32, #tpu.memory_space<hbm>> -> memref<1x128xi32, #tpu.memory_space<hbm>>
    %dma_wait3A_180 = tpu.memref_squeeze %dma_wait3A_179 : memref<1x128xi32, #tpu.memory_space<hbm>> -> memref<128xi32, #tpu.memory_space<hbm>>
    %dma_wait3A_181 = arith.constant 0 : i32
    %dma_wait3A_182 = tpu.memref_slice %arg6[%dma_wait3A_175, %dma_wait3A_181] : memref<8x128xi32, #tpu.memory_space<vmem>> -> memref<1x128xi32, #tpu.memory_space<vmem>>
    %dma_wait3A_183 = tpu.memref_squeeze %dma_wait3A_182 : memref<1x128xi32, #tpu.memory_space<vmem>> -> memref<128xi32, #tpu.memory_space<vmem>>
    %dma_wait3A_184 = tpu.memref_slice %arg2[%dma_wait3A_174, %add3A_45] : memref<4x8192xi32, #tpu.memory_space<hbm>> -> memref<1x128xi32, #tpu.memory_space<hbm>>
    %dma_wait3A_185 = tpu.memref_squeeze %dma_wait3A_184 : memref<1x128xi32, #tpu.memory_space<hbm>> -> memref<128xi32, #tpu.memory_space<hbm>>
    tpu.wait_dma2 semaphore(%arg24 : memref<!tpu.dma_semaphore, #tpu.memory_space<semaphore_mem>>) src(%dma_wait3A_185 : memref<128xi32, #tpu.memory_space<hbm>>) dst(%dma_wait3A_183 : memref<128xi32, #tpu.memory_space<vmem>>)
    %dma_wait3A_186 = arith.constant 2 : i32
    %dma_wait3A_187 = arith.constant 4 : i32
    %dma_wait3A_188 = arith.constant 0 : i32
    %dma_wait3A_189 = tpu.memref_slice %arg6[%dma_wait3A_187, %dma_wait3A_188] : memref<8x128xi32, #tpu.memory_space<vmem>> -> memref<1x128xi32, #tpu.memory_space<vmem>>
    %dma_wait3A_190 = tpu.memref_squeeze %dma_wait3A_189 : memref<1x128xi32, #tpu.memory_space<vmem>> -> memref<128xi32, #tpu.memory_space<vmem>>
    %dma_wait3A_191 = tpu.memref_slice %arg2[%dma_wait3A_186, %add3A_59] : memref<4x8192xi32, #tpu.memory_space<hbm>> -> memref<1x128xi32, #tpu.memory_space<hbm>>
    %dma_wait3A_192 = tpu.memref_squeeze %dma_wait3A_191 : memref<1x128xi32, #tpu.memory_space<hbm>> -> memref<128xi32, #tpu.memory_space<hbm>>
    %dma_wait3A_193 = arith.constant 0 : i32
    %dma_wait3A_194 = tpu.memref_slice %arg6[%dma_wait3A_187, %dma_wait3A_193] : memref<8x128xi32, #tpu.memory_space<vmem>> -> memref<1x128xi32, #tpu.memory_space<vmem>>
    %dma_wait3A_195 = tpu.memref_squeeze %dma_wait3A_194 : memref<1x128xi32, #tpu.memory_space<vmem>> -> memref<128xi32, #tpu.memory_space<vmem>>
    %dma_wait3A_196 = tpu.memref_slice %arg2[%dma_wait3A_186, %add3A_59] : memref<4x8192xi32, #tpu.memory_space<hbm>> -> memref<1x128xi32, #tpu.memory_space<hbm>>
    %dma_wait3A_197 = tpu.memref_squeeze %dma_wait3A_196 : memref<1x128xi32, #tpu.memory_space<hbm>> -> memref<128xi32, #tpu.memory_space<hbm>>
    tpu.wait_dma2 semaphore(%arg24 : memref<!tpu.dma_semaphore, #tpu.memory_space<semaphore_mem>>) src(%dma_wait3A_197 : memref<128xi32, #tpu.memory_space<hbm>>) dst(%dma_wait3A_195 : memref<128xi32, #tpu.memory_space<vmem>>)
    %dma_wait3A_198 = arith.constant 2 : i32
    %dma_wait3A_199 = arith.constant 5 : i32
    %dma_wait3A_200 = arith.constant 0 : i32
    %dma_wait3A_201 = tpu.memref_slice %arg6[%dma_wait3A_199, %dma_wait3A_200] : memref<8x128xi32, #tpu.memory_space<vmem>> -> memref<1x128xi32, #tpu.memory_space<vmem>>
    %dma_wait3A_202 = tpu.memref_squeeze %dma_wait3A_201 : memref<1x128xi32, #tpu.memory_space<vmem>> -> memref<128xi32, #tpu.memory_space<vmem>>
    %dma_wait3A_203 = tpu.memref_slice %arg2[%dma_wait3A_198, %add3A_73] : memref<4x8192xi32, #tpu.memory_space<hbm>> -> memref<1x128xi32, #tpu.memory_space<hbm>>
    %dma_wait3A_204 = tpu.memref_squeeze %dma_wait3A_203 : memref<1x128xi32, #tpu.memory_space<hbm>> -> memref<128xi32, #tpu.memory_space<hbm>>
    %dma_wait3A_205 = arith.constant 0 : i32
    %dma_wait3A_206 = tpu.memref_slice %arg6[%dma_wait3A_199, %dma_wait3A_205] : memref<8x128xi32, #tpu.memory_space<vmem>> -> memref<1x128xi32, #tpu.memory_space<vmem>>
    %dma_wait3A_207 = tpu.memref_squeeze %dma_wait3A_206 : memref<1x128xi32, #tpu.memory_space<vmem>> -> memref<128xi32, #tpu.memory_space<vmem>>
    %dma_wait3A_208 = tpu.memref_slice %arg2[%dma_wait3A_198, %add3A_73] : memref<4x8192xi32, #tpu.memory_space<hbm>> -> memref<1x128xi32, #tpu.memory_space<hbm>>
    %dma_wait3A_209 = tpu.memref_squeeze %dma_wait3A_208 : memref<1x128xi32, #tpu.memory_space<hbm>> -> memref<128xi32, #tpu.memory_space<hbm>>
    tpu.wait_dma2 semaphore(%arg24 : memref<!tpu.dma_semaphore, #tpu.memory_space<semaphore_mem>>) src(%dma_wait3A_209 : memref<128xi32, #tpu.memory_space<hbm>>) dst(%dma_wait3A_207 : memref<128xi32, #tpu.memory_space<vmem>>)
    %dma_wait3A_210 = arith.constant 3 : i32
    %dma_wait3A_211 = arith.constant 6 : i32
    %dma_wait3A_212 = arith.constant 0 : i32
    %dma_wait3A_213 = tpu.memref_slice %arg6[%dma_wait3A_211, %dma_wait3A_212] : memref<8x128xi32, #tpu.memory_space<vmem>> -> memref<1x128xi32, #tpu.memory_space<vmem>>
    %dma_wait3A_214 = tpu.memref_squeeze %dma_wait3A_213 : memref<1x128xi32, #tpu.memory_space<vmem>> -> memref<128xi32, #tpu.memory_space<vmem>>
    %dma_wait3A_215 = tpu.memref_slice %arg2[%dma_wait3A_210, %add3A_87] : memref<4x8192xi32, #tpu.memory_space<hbm>> -> memref<1x128xi32, #tpu.memory_space<hbm>>
    %dma_wait3A_216 = tpu.memref_squeeze %dma_wait3A_215 : memref<1x128xi32, #tpu.memory_space<hbm>> -> memref<128xi32, #tpu.memory_space<hbm>>
    %dma_wait3A_217 = arith.constant 0 : i32
    %dma_wait3A_218 = tpu.memref_slice %arg6[%dma_wait3A_211, %dma_wait3A_217] : memref<8x128xi32, #tpu.memory_space<vmem>> -> memref<1x128xi32, #tpu.memory_space<vmem>>
    %dma_wait3A_219 = tpu.memref_squeeze %dma_wait3A_218 : memref<1x128xi32, #tpu.memory_space<vmem>> -> memref<128xi32, #tpu.memory_space<vmem>>
    %dma_wait3A_220 = tpu.memref_slice %arg2[%dma_wait3A_210, %add3A_87] : memref<4x8192xi32, #tpu.memory_space<hbm>> -> memref<1x128xi32, #tpu.memory_space<hbm>>
    %dma_wait3A_221 = tpu.memref_squeeze %dma_wait3A_220 : memref<1x128xi32, #tpu.memory_space<hbm>> -> memref<128xi32, #tpu.memory_space<hbm>>
    tpu.wait_dma2 semaphore(%arg24 : memref<!tpu.dma_semaphore, #tpu.memory_space<semaphore_mem>>) src(%dma_wait3A_221 : memref<128xi32, #tpu.memory_space<hbm>>) dst(%dma_wait3A_219 : memref<128xi32, #tpu.memory_space<vmem>>)
    %dma_wait3A_222 = arith.constant 3 : i32
    %dma_wait3A_223 = arith.constant 7 : i32
    %dma_wait3A_224 = arith.constant 0 : i32
    %dma_wait3A_225 = tpu.memref_slice %arg6[%dma_wait3A_223, %dma_wait3A_224] : memref<8x128xi32, #tpu.memory_space<vmem>> -> memref<1x128xi32, #tpu.memory_space<vmem>>
    %dma_wait3A_226 = tpu.memref_squeeze %dma_wait3A_225 : memref<1x128xi32, #tpu.memory_space<vmem>> -> memref<128xi32, #tpu.memory_space<vmem>>
    %dma_wait3A_227 = tpu.memref_slice %arg2[%dma_wait3A_222, %add3A_101] : memref<4x8192xi32, #tpu.memory_space<hbm>> -> memref<1x128xi32, #tpu.memory_space<hbm>>
    %dma_wait3A_228 = tpu.memref_squeeze %dma_wait3A_227 : memref<1x128xi32, #tpu.memory_space<hbm>> -> memref<128xi32, #tpu.memory_space<hbm>>
    %dma_wait3A_229 = arith.constant 0 : i32
    %dma_wait3A_230 = tpu.memref_slice %arg6[%dma_wait3A_223, %dma_wait3A_229] : memref<8x128xi32, #tpu.memory_space<vmem>> -> memref<1x128xi32, #tpu.memory_space<vmem>>
    %dma_wait3A_231 = tpu.memref_squeeze %dma_wait3A_230 : memref<1x128xi32, #tpu.memory_space<vmem>> -> memref<128xi32, #tpu.memory_space<vmem>>
    %dma_wait3A_232 = tpu.memref_slice %arg2[%dma_wait3A_222, %add3A_101] : memref<4x8192xi32, #tpu.memory_space<hbm>> -> memref<1x128xi32, #tpu.memory_space<hbm>>
    %dma_wait3A_233 = tpu.memref_squeeze %dma_wait3A_232 : memref<1x128xi32, #tpu.memory_space<hbm>> -> memref<128xi32, #tpu.memory_space<hbm>>
    tpu.wait_dma2 semaphore(%arg24 : memref<!tpu.dma_semaphore, #tpu.memory_space<semaphore_mem>>) src(%dma_wait3A_233 : memref<128xi32, #tpu.memory_space<hbm>>) dst(%dma_wait3A_231 : memref<128xi32, #tpu.memory_space<vmem>>)
    %dma_wait3A_234 = arith.constant 0 : i32
    %dma_wait3A_235 = tpu.memref_slice %arg4[%mul3A_2, %dma_wait3A_234] : memref<8192x128xf32, #tpu.memory_space<hbm>> -> memref<256x128xf32, #tpu.memory_space<hbm>>
    %dma_wait3A_236 = arith.constant 0 : i32
    %dma_wait3A_237 = tpu.memref_slice %arg4[%mul3A_2, %dma_wait3A_236] : memref<8192x128xf32, #tpu.memory_space<hbm>> -> memref<256x128xf32, #tpu.memory_space<hbm>>
    tpu.wait_dma2 semaphore(%arg23 : memref<!tpu.dma_semaphore, #tpu.memory_space<semaphore_mem>>) src(%dma_wait3A_237 : memref<256x128xf32, #tpu.memory_space<hbm>>) dst(%arg7 : memref<256x128xf32, #tpu.memory_space<vmem>>)
    %dma_start3A_238 = arith.constant 3 : i32
    %dma_start3A_239 = arith.constant 0 : i32
    %dma_start3A_240 = tpu.memref_slice %arg6[%dma_start3A_238, %dma_start3A_239] : memref<8x128xi32, #tpu.memory_space<vmem>> -> memref<1x128xi32, #tpu.memory_space<vmem>>
    %dma_start3A_241 = tpu.memref_squeeze %dma_start3A_240 : memref<1x128xi32, #tpu.memory_space<vmem>> -> memref<128xi32, #tpu.memory_space<vmem>>
    %dma_start3A_242 = arith.constant 0 : i32
    %dma_start3A_243 = arith.constant 0 : i32
    %dma_start3A_244 = tpu.memref_slice %arg3[%dma_start3A_242, %dma_start3A_243] : memref<100000x128xf32, #tpu.memory_space<hbm>> -> memref<100000x128xf32, #tpu.memory_space<hbm>>
    tpu.enqueue_indirect_dma source(%dma_start3A_244 : memref<100000x128xf32, #tpu.memory_space<hbm>>) target(%arg11 : memref<128x128xf32, #tpu.memory_space<vmem>>) offsets(%dma_start3A_241 : memref<128xi32, #tpu.memory_space<vmem>>) semaphore(%arg16 : memref<!tpu.dma_semaphore, #tpu.memory_space<semaphore_mem>>)
    %dma_wait3A_245 = arith.constant 0 : i32
    %dma_wait3A_246 = arith.constant 0 : i32
    %dma_wait3A_247 = tpu.memref_slice %arg6[%dma_wait3A_245, %dma_wait3A_246] : memref<8x128xi32, #tpu.memory_space<vmem>> -> memref<1x128xi32, #tpu.memory_space<vmem>>
    %dma_wait3A_248 = tpu.memref_squeeze %dma_wait3A_247 : memref<1x128xi32, #tpu.memory_space<vmem>> -> memref<128xi32, #tpu.memory_space<vmem>>
    %dma_wait3A_249 = arith.constant 0 : i32
    %dma_wait3A_250 = arith.constant 0 : i32
    %dma_wait3A_251 = tpu.memref_slice %arg3[%dma_wait3A_249, %dma_wait3A_250] : memref<100000x128xf32, #tpu.memory_space<hbm>> -> memref<100000x128xf32, #tpu.memory_space<hbm>>
    tpu.wait_indirect_dma semaphore(%arg13 : memref<!tpu.dma_semaphore, #tpu.memory_space<semaphore_mem>>) src(%dma_wait3A_251 : memref<100000x128xf32, #tpu.memory_space<hbm>>) dst(%arg8 : memref<128x128xf32, #tpu.memory_space<vmem>>)
    %scan3A = arith.constant 0 : i32
    %scan3A_252 = arith.constant 0 : i32
    %scan3A_253 = arith.constant 128 : i32
    %scan3A_254 = arith.addi %scan3A_252, %scan3A_253 : i32
    %scan3A_255 = arith.constant 1 : i32
    scf.for %scan3A_504 = %scan3A_252 to %scan3A_254 step %scan3A_255  : i32 {
      %get3A = arith.index_cast %scan3A_504 : i32 to index
      %get3A_505 = arith.constant 0 : index
      %get3A_506 = tpu.vector_load %arg8[%get3A, %get3A_505] {strides = array<i32>} : memref<128x128xf32, #tpu.memory_space<vmem>>, vector<1x16xf32>,
      %get3A_507 = vector.shape_cast %get3A_506 : vector<1x16xf32> to vector<16xf32>
      %add3A_508 = arith.constant 0 : i32
      %add3A_509 = arith.addi %add3A_508, %scan3A_504 : i32
      %get3A_510 = arith.index_cast %add3A_509 : i32 to index
      %get3A_511 = arith.constant 0 : index
      %get3A_512 = tpu.vector_load %arg7[%get3A_510, %get3A_511] {strides = array<i32>} : memref<256x128xf32, #tpu.memory_space<vmem>>, vector<1x16xf32>,
      %get3A_513 = vector.shape_cast %get3A_512 : vector<1x16xf32> to vector<16xf32>
      %add3A_514 = arith.addf %get3A_507, %get3A_513 : vector<16xf32>
      %swap3A = arith.index_cast %scan3A_504 : i32 to index
      %swap3A_515 = arith.constant 0 : index
      %swap3A_516 = tpu.vector_load %arg8[%swap3A, %swap3A_515] {strides = array<i32>} : memref<128x128xf32, #tpu.memory_space<vmem>>, vector<1x16xf32>,
      %swap3A_517 = vector.shape_cast %swap3A_516 : vector<1x16xf32> to vector<16xf32>
      %swap3A_518 = vector.shape_cast %add3A_514 : vector<16xf32> to vector<1x16xf32>
      tpu.vector_store %arg8[%swap3A, %swap3A_515], %swap3A_518 {strides = array<i32>} : memref<128x128xf32, #tpu.memory_space<vmem>>, vector<1x16xf32>,
      %get3A_519 = arith.index_cast %scan3A_504 : i32 to index
      %get3A_520 = arith.constant 16 : index
      %get3A_521 = tpu.vector_load %arg8[%get3A_519, %get3A_520] {strides = array<i32>} : memref<128x128xf32, #tpu.memory_space<vmem>>, vector<1x16xf32>,
      %get3A_522 = vector.shape_cast %get3A_521 : vector<1x16xf32> to vector<16xf32>
      %add3A_523 = arith.constant 0 : i32
      %add3A_524 = arith.addi %add3A_523, %scan3A_504 : i32
      %get3A_525 = arith.index_cast %add3A_524 : i32 to index
      %get3A_526 = arith.constant 16 : index
      %get3A_527 = tpu.vector_load %arg7[%get3A_525, %get3A_526] {strides = array<i32>} : memref<256x128xf32, #tpu.memory_space<vmem>>, vector<1x16xf32>,
      %get3A_528 = vector.shape_cast %get3A_527 : vector<1x16xf32> to vector<16xf32>
      %add3A_529 = arith.addf %get3A_522, %get3A_528 : vector<16xf32>
      %swap3A_530 = arith.index_cast %scan3A_504 : i32 to index
      %swap3A_531 = arith.constant 16 : index
      %swap3A_532 = tpu.vector_load %arg8[%swap3A_530, %swap3A_531] {strides = array<i32>} : memref<128x128xf32, #tpu.memory_space<vmem>>, vector<1x16xf32>,
      %swap3A_533 = vector.shape_cast %swap3A_532 : vector<1x16xf32> to vector<16xf32>
      %swap3A_534 = vector.shape_cast %add3A_529 : vector<16xf32> to vector<1x16xf32>
      tpu.vector_store %arg8[%swap3A_530, %swap3A_531], %swap3A_534 {strides = array<i32>} : memref<128x128xf32, #tpu.memory_space<vmem>>, vector<1x16xf32>,
      %get3A_535 = arith.index_cast %scan3A_504 : i32 to index
      %get3A_536 = arith.constant 32 : index
      %get3A_537 = tpu.vector_load %arg8[%get3A_535, %get3A_536] {strides = array<i32>} : memref<128x128xf32, #tpu.memory_space<vmem>>, vector<1x16xf32>,
      %get3A_538 = vector.shape_cast %get3A_537 : vector<1x16xf32> to vector<16xf32>
      %add3A_539 = arith.constant 0 : i32
      %add3A_540 = arith.addi %add3A_539, %scan3A_504 : i32
      %get3A_541 = arith.index_cast %add3A_540 : i32 to index
      %get3A_542 = arith.constant 32 : index
      %get3A_543 = tpu.vector_load %arg7[%get3A_541, %get3A_542] {strides = array<i32>} : memref<256x128xf32, #tpu.memory_space<vmem>>, vector<1x16xf32>,
      %get3A_544 = vector.shape_cast %get3A_543 : vector<1x16xf32> to vector<16xf32>
      %add3A_545 = arith.addf %get3A_538, %get3A_544 : vector<16xf32>
      %swap3A_546 = arith.index_cast %scan3A_504 : i32 to index
      %swap3A_547 = arith.constant 32 : index
      %swap3A_548 = tpu.vector_load %arg8[%swap3A_546, %swap3A_547] {strides = array<i32>} : memref<128x128xf32, #tpu.memory_space<vmem>>, vector<1x16xf32>,
      %swap3A_549 = vector.shape_cast %swap3A_548 : vector<1x16xf32> to vector<16xf32>
      %swap3A_550 = vector.shape_cast %add3A_545 : vector<16xf32> to vector<1x16xf32>
      tpu.vector_store %arg8[%swap3A_546, %swap3A_547], %swap3A_550 {strides = array<i32>} : memref<128x128xf32, #tpu.memory_space<vmem>>, vector<1x16xf32>,
      %get3A_551 = arith.index_cast %scan3A_504 : i32 to index
      %get3A_552 = arith.constant 48 : index
      %get3A_553 = tpu.vector_load %arg8[%get3A_551, %get3A_552] {strides = array<i32>} : memref<128x128xf32, #tpu.memory_space<vmem>>, vector<1x16xf32>,
      %get3A_554 = vector.shape_cast %get3A_553 : vector<1x16xf32> to vector<16xf32>
      %add3A_555 = arith.constant 0 : i32
      %add3A_556 = arith.addi %add3A_555, %scan3A_504 : i32
      %get3A_557 = arith.index_cast %add3A_556 : i32 to index
      %get3A_558 = arith.constant 48 : index
      %get3A_559 = tpu.vector_load %arg7[%get3A_557, %get3A_558] {strides = array<i32>} : memref<256x128xf32, #tpu.memory_space<vmem>>, vector<1x16xf32>,
      %get3A_560 = vector.shape_cast %get3A_559 : vector<1x16xf32> to vector<16xf32>
      %add3A_561 = arith.addf %get3A_554, %get3A_560 : vector<16xf32>
      %swap3A_562 = arith.index_cast %scan3A_504 : i32 to index
      %swap3A_563 = arith.constant 48 : index
      %swap3A_564 = tpu.vector_load %arg8[%swap3A_562, %swap3A_563] {strides = array<i32>} : memref<128x128xf32, #tpu.memory_space<vmem>>, vector<1x16xf32>,
      %swap3A_565 = vector.shape_cast %swap3A_564 : vector<1x16xf32> to vector<16xf32>
      %swap3A_566 = vector.shape_cast %add3A_561 : vector<16xf32> to vector<1x16xf32>
      tpu.vector_store %arg8[%swap3A_562, %swap3A_563], %swap3A_566 {strides = array<i32>} : memref<128x128xf32, #tpu.memory_space<vmem>>, vector<1x16xf32>,
      %get3A_567 = arith.index_cast %scan3A_504 : i32 to index
      %get3A_568 = arith.constant 64 : index
      %get3A_569 = tpu.vector_load %arg8[%get3A_567, %get3A_568] {strides = array<i32>} : memref<128x128xf32, #tpu.memory_space<vmem>>, vector<1x16xf32>,
      %get3A_570 = vector.shape_cast %get3A_569 : vector<1x16xf32> to vector<16xf32>
      %add3A_571 = arith.constant 0 : i32
      %add3A_572 = arith.addi %add3A_571, %scan3A_504 : i32
      %get3A_573 = arith.index_cast %add3A_572 : i32 to index
      %get3A_574 = arith.constant 64 : index
      %get3A_575 = tpu.vector_load %arg7[%get3A_573, %get3A_574] {strides = array<i32>} : memref<256x128xf32, #tpu.memory_space<vmem>>, vector<1x16xf32>,
      %get3A_576 = vector.shape_cast %get3A_575 : vector<1x16xf32> to vector<16xf32>
      %add3A_577 = arith.addf %get3A_570, %get3A_576 : vector<16xf32>
      %swap3A_578 = arith.index_cast %scan3A_504 : i32 to index
      %swap3A_579 = arith.constant 64 : index
      %swap3A_580 = tpu.vector_load %arg8[%swap3A_578, %swap3A_579] {strides = array<i32>} : memref<128x128xf32, #tpu.memory_space<vmem>>, vector<1x16xf32>,
      %swap3A_581 = vector.shape_cast %swap3A_580 : vector<1x16xf32> to vector<16xf32>
      %swap3A_582 = vector.shape_cast %add3A_577 : vector<16xf32> to vector<1x16xf32>
      tpu.vector_store %arg8[%swap3A_578, %swap3A_579], %swap3A_582 {strides = array<i32>} : memref<128x128xf32, #tpu.memory_space<vmem>>, vector<1x16xf32>,
      %get3A_583 = arith.index_cast %scan3A_504 : i32 to index
      %get3A_584 = arith.constant 80 : index
      %get3A_585 = tpu.vector_load %arg8[%get3A_583, %get3A_584] {strides = array<i32>} : memref<128x128xf32, #tpu.memory_space<vmem>>, vector<1x16xf32>,
      %get3A_586 = vector.shape_cast %get3A_585 : vector<1x16xf32> to vector<16xf32>
      %add3A_587 = arith.constant 0 : i32
      %add3A_588 = arith.addi %add3A_587, %scan3A_504 : i32
      %get3A_589 = arith.index_cast %add3A_588 : i32 to index
      %get3A_590 = arith.constant 80 : index
      %get3A_591 = tpu.vector_load %arg7[%get3A_589, %get3A_590] {strides = array<i32>} : memref<256x128xf32, #tpu.memory_space<vmem>>, vector<1x16xf32>,
      %get3A_592 = vector.shape_cast %get3A_591 : vector<1x16xf32> to vector<16xf32>
      %add3A_593 = arith.addf %get3A_586, %get3A_592 : vector<16xf32>
      %swap3A_594 = arith.index_cast %scan3A_504 : i32 to index
      %swap3A_595 = arith.constant 80 : index
      %swap3A_596 = tpu.vector_load %arg8[%swap3A_594, %swap3A_595] {strides = array<i32>} : memref<128x128xf32, #tpu.memory_space<vmem>>, vector<1x16xf32>,
      %swap3A_597 = vector.shape_cast %swap3A_596 : vector<1x16xf32> to vector<16xf32>
      %swap3A_598 = vector.shape_cast %add3A_593 : vector<16xf32> to vector<1x16xf32>
      tpu.vector_store %arg8[%swap3A_594, %swap3A_595], %swap3A_598 {strides = array<i32>} : memref<128x128xf32, #tpu.memory_space<vmem>>, vector<1x16xf32>,
      %get3A_599 = arith.index_cast %scan3A_504 : i32 to index
      %get3A_600 = arith.constant 96 : index
      %get3A_601 = tpu.vector_load %arg8[%get3A_599, %get3A_600] {strides = array<i32>} : memref<128x128xf32, #tpu.memory_space<vmem>>, vector<1x16xf32>,
      %get3A_602 = vector.shape_cast %get3A_601 : vector<1x16xf32> to vector<16xf32>
      %add3A_603 = arith.constant 0 : i32
      %add3A_604 = arith.addi %add3A_603, %scan3A_504 : i32
      %get3A_605 = arith.index_cast %add3A_604 : i32 to index
      %get3A_606 = arith.constant 96 : index
      %get3A_607 = tpu.vector_load %arg7[%get3A_605, %get3A_606] {strides = array<i32>} : memref<256x128xf32, #tpu.memory_space<vmem>>, vector<1x16xf32>,
      %get3A_608 = vector.shape_cast %get3A_607 : vector<1x16xf32> to vector<16xf32>
      %add3A_609 = arith.addf %get3A_602, %get3A_608 : vector<16xf32>
      %swap3A_610 = arith.index_cast %scan3A_504 : i32 to index
      %swap3A_611 = arith.constant 96 : index
      %swap3A_612 = tpu.vector_load %arg8[%swap3A_610, %swap3A_611] {strides = array<i32>} : memref<128x128xf32, #tpu.memory_space<vmem>>, vector<1x16xf32>,
      %swap3A_613 = vector.shape_cast %swap3A_612 : vector<1x16xf32> to vector<16xf32>
      %swap3A_614 = vector.shape_cast %add3A_609 : vector<16xf32> to vector<1x16xf32>
      tpu.vector_store %arg8[%swap3A_610, %swap3A_611], %swap3A_614 {strides = array<i32>} : memref<128x128xf32, #tpu.memory_space<vmem>>, vector<1x16xf32>,
      %get3A_615 = arith.index_cast %scan3A_504 : i32 to index
      %get3A_616 = arith.constant 112 : index
      %get3A_617 = tpu.vector_load %arg8[%get3A_615, %get3A_616] {strides = array<i32>} : memref<128x128xf32, #tpu.memory_space<vmem>>, vector<1x16xf32>,
      %get3A_618 = vector.shape_cast %get3A_617 : vector<1x16xf32> to vector<16xf32>
      %add3A_619 = arith.constant 0 : i32
      %add3A_620 = arith.addi %add3A_619, %scan3A_504 : i32
      %get3A_621 = arith.index_cast %add3A_620 : i32 to index
      %get3A_622 = arith.constant 112 : index
      %get3A_623 = tpu.vector_load %arg7[%get3A_621, %get3A_622] {strides = array<i32>} : memref<256x128xf32, #tpu.memory_space<vmem>>, vector<1x16xf32>,
      %get3A_624 = vector.shape_cast %get3A_623 : vector<1x16xf32> to vector<16xf32>
      %add3A_625 = arith.addf %get3A_618, %get3A_624 : vector<16xf32>
      %swap3A_626 = arith.index_cast %scan3A_504 : i32 to index
      %swap3A_627 = arith.constant 112 : index
      %swap3A_628 = tpu.vector_load %arg8[%swap3A_626, %swap3A_627] {strides = array<i32>} : memref<128x128xf32, #tpu.memory_space<vmem>>, vector<1x16xf32>,
      %swap3A_629 = vector.shape_cast %swap3A_628 : vector<1x16xf32> to vector<16xf32>
      %swap3A_630 = vector.shape_cast %add3A_625 : vector<16xf32> to vector<1x16xf32>
      tpu.vector_store %arg8[%swap3A_626, %swap3A_627], %swap3A_630 {strides = array<i32>} : memref<128x128xf32, #tpu.memory_space<vmem>>, vector<1x16xf32>,
    }
    %scan3A_256 = arith.constant 128 : i32
    %add3A_257 = arith.constant 0 : i32
    %add3A_258 = arith.addi %mul3A_2, %add3A_257 : i32
    %dma_start3A_259 = arith.constant 0 : i32
    %dma_start3A_260 = arith.constant 0 : i32
    %dma_start3A_261 = tpu.memref_slice %arg5[%dma_start3A_259, %add3A_258, %dma_start3A_260] : memref<4x8192x128xf32, #tpu.memory_space<hbm>> -> memref<1x128x128xf32, #tpu.memory_space<hbm>>
    %dma_start3A_262 = tpu.memref_squeeze %dma_start3A_261 : memref<1x128x128xf32, #tpu.memory_space<hbm>> -> memref<128x128xf32, #tpu.memory_space<hbm>>
    %dma_start3A_263 = arith.constant 0 : i32
    %dma_start3A_264 = tpu.memref_slice %arg5[%dma_start3A_259, %add3A_258, %dma_start3A_263] : memref<4x8192x128xf32, #tpu.memory_space<hbm>> -> memref<1x128x128xf32, #tpu.memory_space<hbm>>
    %dma_start3A_265 = tpu.memref_squeeze %dma_start3A_264 : memref<1x128x128xf32, #tpu.memory_space<hbm>> -> memref<128x128xf32, #tpu.memory_space<hbm>>
    tpu.enqueue_dma source(%arg8 : memref<128x128xf32, #tpu.memory_space<vmem>>) target(%dma_start3A_265 : memref<128x128xf32, #tpu.memory_space<hbm>>) target_semaphore(%arg18 : memref<!tpu.dma_semaphore, #tpu.memory_space<semaphore_mem>>)
    %dma_start3A_266 = arith.constant 4 : i32
    %dma_start3A_267 = arith.constant 0 : i32
    %dma_start3A_268 = tpu.memref_slice %arg6[%dma_start3A_266, %dma_start3A_267] : memref<8x128xi32, #tpu.memory_space<vmem>> -> memref<1x128xi32, #tpu.memory_space<vmem>>
    %dma_start3A_269 = tpu.memref_squeeze %dma_start3A_268 : memref<1x128xi32, #tpu.memory_space<vmem>> -> memref<128xi32, #tpu.memory_space<vmem>>
    %dma_start3A_270 = arith.constant 0 : i32
    %dma_start3A_271 = arith.constant 0 : i32
    %dma_start3A_272 = tpu.memref_slice %arg3[%dma_start3A_270, %dma_start3A_271] : memref<100000x128xf32, #tpu.memory_space<hbm>> -> memref<100000x128xf32, #tpu.memory_space<hbm>>
    tpu.enqueue_indirect_dma source(%dma_start3A_272 : memref<100000x128xf32, #tpu.memory_space<hbm>>) target(%arg12 : memref<128x128xf32, #tpu.memory_space<vmem>>) offsets(%dma_start3A_269 : memref<128xi32, #tpu.memory_space<vmem>>) semaphore(%arg17 : memref<!tpu.dma_semaphore, #tpu.memory_space<semaphore_mem>>)
    %dma_wait3A_273 = arith.constant 1 : i32
    %dma_wait3A_274 = arith.constant 0 : i32
    %dma_wait3A_275 = tpu.memref_slice %arg6[%dma_wait3A_273, %dma_wait3A_274] : memref<8x128xi32, #tpu.memory_space<vmem>> -> memref<1x128xi32, #tpu.memory_space<vmem>>
    %dma_wait3A_276 = tpu.memref_squeeze %dma_wait3A_275 : memref<1x128xi32, #tpu.memory_space<vmem>> -> memref<128xi32, #tpu.memory_space<vmem>>
    %dma_wait3A_277 = arith.constant 0 : i32
    %dma_wait3A_278 = arith.constant 0 : i32
    %dma_wait3A_279 = tpu.memref_slice %arg3[%dma_wait3A_277, %dma_wait3A_278] : memref<100000x128xf32, #tpu.memory_space<hbm>> -> memref<100000x128xf32, #tpu.memory_space<hbm>>
    tpu.wait_indirect_dma semaphore(%arg14 : memref<!tpu.dma_semaphore, #tpu.memory_space<semaphore_mem>>) src(%dma_wait3A_279 : memref<100000x128xf32, #tpu.memory_space<hbm>>) dst(%arg9 : memref<128x128xf32, #tpu.memory_space<vmem>>)
    %scan3A_280 = arith.constant 0 : i32
    %scan3A_281 = arith.constant 0 : i32
    %scan3A_282 = arith.constant 128 : i32
    %scan3A_283 = arith.addi %scan3A_281, %scan3A_282 : i32
    %scan3A_284 = arith.constant 1 : i32
    scf.for %scan3A_504 = %scan3A_281 to %scan3A_283 step %scan3A_284  : i32 {
      %get3A = arith.index_cast %scan3A_504 : i32 to index
      %get3A_505 = arith.constant 0 : index
      %get3A_506 = tpu.vector_load %arg9[%get3A, %get3A_505] {strides = array<i32>} : memref<128x128xf32, #tpu.memory_space<vmem>>, vector<1x16xf32>,
      %get3A_507 = vector.shape_cast %get3A_506 : vector<1x16xf32> to vector<16xf32>
      %add3A_508 = arith.constant 128 : i32
      %add3A_509 = arith.addi %add3A_508, %scan3A_504 : i32
      %get3A_510 = arith.index_cast %add3A_509 : i32 to index
      %get3A_511 = arith.constant 0 : index
      %get3A_512 = tpu.vector_load %arg7[%get3A_510, %get3A_511] {strides = array<i32>} : memref<256x128xf32, #tpu.memory_space<vmem>>, vector<1x16xf32>,
      %get3A_513 = vector.shape_cast %get3A_512 : vector<1x16xf32> to vector<16xf32>
      %add3A_514 = arith.addf %get3A_507, %get3A_513 : vector<16xf32>
      %swap3A = arith.index_cast %scan3A_504 : i32 to index
      %swap3A_515 = arith.constant 0 : index
      %swap3A_516 = tpu.vector_load %arg9[%swap3A, %swap3A_515] {strides = array<i32>} : memref<128x128xf32, #tpu.memory_space<vmem>>, vector<1x16xf32>,
      %swap3A_517 = vector.shape_cast %swap3A_516 : vector<1x16xf32> to vector<16xf32>
      %swap3A_518 = vector.shape_cast %add3A_514 : vector<16xf32> to vector<1x16xf32>
      tpu.vector_store %arg9[%swap3A, %swap3A_515], %swap3A_518 {strides = array<i32>} : memref<128x128xf32, #tpu.memory_space<vmem>>, vector<1x16xf32>,
      %get3A_519 = arith.index_cast %scan3A_504 : i32 to index
      %get3A_520 = arith.constant 16 : index
      %get3A_521 = tpu.vector_load %arg9[%get3A_519, %get3A_520] {strides = array<i32>} : memref<128x128xf32, #tpu.memory_space<vmem>>, vector<1x16xf32>,
      %get3A_522 = vector.shape_cast %get3A_521 : vector<1x16xf32> to vector<16xf32>
      %add3A_523 = arith.constant 128 : i32
      %add3A_524 = arith.addi %add3A_523, %scan3A_504 : i32
      %get3A_525 = arith.index_cast %add3A_524 : i32 to index
      %get3A_526 = arith.constant 16 : index
      %get3A_527 = tpu.vector_load %arg7[%get3A_525, %get3A_526] {strides = array<i32>} : memref<256x128xf32, #tpu.memory_space<vmem>>, vector<1x16xf32>,
      %get3A_528 = vector.shape_cast %get3A_527 : vector<1x16xf32> to vector<16xf32>
      %add3A_529 = arith.addf %get3A_522, %get3A_528 : vector<16xf32>
      %swap3A_530 = arith.index_cast %scan3A_504 : i32 to index
      %swap3A_531 = arith.constant 16 : index
      %swap3A_532 = tpu.vector_load %arg9[%swap3A_530, %swap3A_531] {strides = array<i32>} : memref<128x128xf32, #tpu.memory_space<vmem>>, vector<1x16xf32>,
      %swap3A_533 = vector.shape_cast %swap3A_532 : vector<1x16xf32> to vector<16xf32>
      %swap3A_534 = vector.shape_cast %add3A_529 : vector<16xf32> to vector<1x16xf32>
      tpu.vector_store %arg9[%swap3A_530, %swap3A_531], %swap3A_534 {strides = array<i32>} : memref<128x128xf32, #tpu.memory_space<vmem>>, vector<1x16xf32>,
      %get3A_535 = arith.index_cast %scan3A_504 : i32 to index
      %get3A_536 = arith.constant 32 : index
      %get3A_537 = tpu.vector_load %arg9[%get3A_535, %get3A_536] {strides = array<i32>} : memref<128x128xf32, #tpu.memory_space<vmem>>, vector<1x16xf32>,
      %get3A_538 = vector.shape_cast %get3A_537 : vector<1x16xf32> to vector<16xf32>
      %add3A_539 = arith.constant 128 : i32
      %add3A_540 = arith.addi %add3A_539, %scan3A_504 : i32
      %get3A_541 = arith.index_cast %add3A_540 : i32 to index
      %get3A_542 = arith.constant 32 : index
      %get3A_543 = tpu.vector_load %arg7[%get3A_541, %get3A_542] {strides = array<i32>} : memref<256x128xf32, #tpu.memory_space<vmem>>, vector<1x16xf32>,
      %get3A_544 = vector.shape_cast %get3A_543 : vector<1x16xf32> to vector<16xf32>
      %add3A_545 = arith.addf %get3A_538, %get3A_544 : vector<16xf32>
      %swap3A_546 = arith.index_cast %scan3A_504 : i32 to index
      %swap3A_547 = arith.constant 32 : index
      %swap3A_548 = tpu.vector_load %arg9[%swap3A_546, %swap3A_547] {strides = array<i32>} : memref<128x128xf32, #tpu.memory_space<vmem>>, vector<1x16xf32>,
      %swap3A_549 = vector.shape_cast %swap3A_548 : vector<1x16xf32> to vector<16xf32>
      %swap3A_550 = vector.shape_cast %add3A_545 : vector<16xf32> to vector<1x16xf32>
      tpu.vector_store %arg9[%swap3A_546, %swap3A_547], %swap3A_550 {strides = array<i32>} : memref<128x128xf32, #tpu.memory_space<vmem>>, vector<1x16xf32>,
      %get3A_551 = arith.index_cast %scan3A_504 : i32 to index
      %get3A_552 = arith.constant 48 : index
      %get3A_553 = tpu.vector_load %arg9[%get3A_551, %get3A_552] {strides = array<i32>} : memref<128x128xf32, #tpu.memory_space<vmem>>, vector<1x16xf32>,
      %get3A_554 = vector.shape_cast %get3A_553 : vector<1x16xf32> to vector<16xf32>
      %add3A_555 = arith.constant 128 : i32
      %add3A_556 = arith.addi %add3A_555, %scan3A_504 : i32
      %get3A_557 = arith.index_cast %add3A_556 : i32 to index
      %get3A_558 = arith.constant 48 : index
      %get3A_559 = tpu.vector_load %arg7[%get3A_557, %get3A_558] {strides = array<i32>} : memref<256x128xf32, #tpu.memory_space<vmem>>, vector<1x16xf32>,
      %get3A_560 = vector.shape_cast %get3A_559 : vector<1x16xf32> to vector<16xf32>
      %add3A_561 = arith.addf %get3A_554, %get3A_560 : vector<16xf32>
      %swap3A_562 = arith.index_cast %scan3A_504 : i32 to index
      %swap3A_563 = arith.constant 48 : index
      %swap3A_564 = tpu.vector_load %arg9[%swap3A_562, %swap3A_563] {strides = array<i32>} : memref<128x128xf32, #tpu.memory_space<vmem>>, vector<1x16xf32>,
      %swap3A_565 = vector.shape_cast %swap3A_564 : vector<1x16xf32> to vector<16xf32>
      %swap3A_566 = vector.shape_cast %add3A_561 : vector<16xf32> to vector<1x16xf32>
      tpu.vector_store %arg9[%swap3A_562, %swap3A_563], %swap3A_566 {strides = array<i32>} : memref<128x128xf32, #tpu.memory_space<vmem>>, vector<1x16xf32>,
      %get3A_567 = arith.index_cast %scan3A_504 : i32 to index
      %get3A_568 = arith.constant 64 : index
      %get3A_569 = tpu.vector_load %arg9[%get3A_567, %get3A_568] {strides = array<i32>} : memref<128x128xf32, #tpu.memory_space<vmem>>, vector<1x16xf32>,
      %get3A_570 = vector.shape_cast %get3A_569 : vector<1x16xf32> to vector<16xf32>
      %add3A_571 = arith.constant 128 : i32
      %add3A_572 = arith.addi %add3A_571, %scan3A_504 : i32
      %get3A_573 = arith.index_cast %add3A_572 : i32 to index
      %get3A_574 = arith.constant 64 : index
      %get3A_575 = tpu.vector_load %arg7[%get3A_573, %get3A_574] {strides = array<i32>} : memref<256x128xf32, #tpu.memory_space<vmem>>, vector<1x16xf32>,
      %get3A_576 = vector.shape_cast %get3A_575 : vector<1x16xf32> to vector<16xf32>
      %add3A_577 = arith.addf %get3A_570, %get3A_576 : vector<16xf32>
      %swap3A_578 = arith.index_cast %scan3A_504 : i32 to index
      %swap3A_579 = arith.constant 64 : index
      %swap3A_580 = tpu.vector_load %arg9[%swap3A_578, %swap3A_579] {strides = array<i32>} : memref<128x128xf32, #tpu.memory_space<vmem>>, vector<1x16xf32>,
      %swap3A_581 = vector.shape_cast %swap3A_580 : vector<1x16xf32> to vector<16xf32>
      %swap3A_582 = vector.shape_cast %add3A_577 : vector<16xf32> to vector<1x16xf32>
      tpu.vector_store %arg9[%swap3A_578, %swap3A_579], %swap3A_582 {strides = array<i32>} : memref<128x128xf32, #tpu.memory_space<vmem>>, vector<1x16xf32>,
      %get3A_583 = arith.index_cast %scan3A_504 : i32 to index
      %get3A_584 = arith.constant 80 : index
      %get3A_585 = tpu.vector_load %arg9[%get3A_583, %get3A_584] {strides = array<i32>} : memref<128x128xf32, #tpu.memory_space<vmem>>, vector<1x16xf32>,
      %get3A_586 = vector.shape_cast %get3A_585 : vector<1x16xf32> to vector<16xf32>
      %add3A_587 = arith.constant 128 : i32
      %add3A_588 = arith.addi %add3A_587, %scan3A_504 : i32
      %get3A_589 = arith.index_cast %add3A_588 : i32 to index
      %get3A_590 = arith.constant 80 : index
      %get3A_591 = tpu.vector_load %arg7[%get3A_589, %get3A_590] {strides = array<i32>} : memref<256x128xf32, #tpu.memory_space<vmem>>, vector<1x16xf32>,
      %get3A_592 = vector.shape_cast %get3A_591 : vector<1x16xf32> to vector<16xf32>
      %add3A_593 = arith.addf %get3A_586, %get3A_592 : vector<16xf32>
      %swap3A_594 = arith.index_cast %scan3A_504 : i32 to index
      %swap3A_595 = arith.constant 80 : index
      %swap3A_596 = tpu.vector_load %arg9[%swap3A_594, %swap3A_595] {strides = array<i32>} : memref<128x128xf32, #tpu.memory_space<vmem>>, vector<1x16xf32>,
      %swap3A_597 = vector.shape_cast %swap3A_596 : vector<1x16xf32> to vector<16xf32>
      %swap3A_598 = vector.shape_cast %add3A_593 : vector<16xf32> to vector<1x16xf32>
      tpu.vector_store %arg9[%swap3A_594, %swap3A_595], %swap3A_598 {strides = array<i32>} : memref<128x128xf32, #tpu.memory_space<vmem>>, vector<1x16xf32>,
      %get3A_599 = arith.index_cast %scan3A_504 : i32 to index
      %get3A_600 = arith.constant 96 : index
      %get3A_601 = tpu.vector_load %arg9[%get3A_599, %get3A_600] {strides = array<i32>} : memref<128x128xf32, #tpu.memory_space<vmem>>, vector<1x16xf32>,
      %get3A_602 = vector.shape_cast %get3A_601 : vector<1x16xf32> to vector<16xf32>
      %add3A_603 = arith.constant 128 : i32
      %add3A_604 = arith.addi %add3A_603, %scan3A_504 : i32
      %get3A_605 = arith.index_cast %add3A_604 : i32 to index
      %get3A_606 = arith.constant 96 : index
      %get3A_607 = tpu.vector_load %arg7[%get3A_605, %get3A_606] {strides = array<i32>} : memref<256x128xf32, #tpu.memory_space<vmem>>, vector<1x16xf32>,
      %get3A_608 = vector.shape_cast %get3A_607 : vector<1x16xf32> to vector<16xf32>
      %add3A_609 = arith.addf %get3A_602, %get3A_608 : vector<16xf32>
      %swap3A_610 = arith.index_cast %scan3A_504 : i32 to index
      %swap3A_611 = arith.constant 96 : index
      %swap3A_612 = tpu.vector_load %arg9[%swap3A_610, %swap3A_611] {strides = array<i32>} : memref<128x128xf32, #tpu.memory_space<vmem>>, vector<1x16xf32>,
      %swap3A_613 = vector.shape_cast %swap3A_612 : vector<1x16xf32> to vector<16xf32>
      %swap3A_614 = vector.shape_cast %add3A_609 : vector<16xf32> to vector<1x16xf32>
      tpu.vector_store %arg9[%swap3A_610, %swap3A_611], %swap3A_614 {strides = array<i32>} : memref<128x128xf32, #tpu.memory_space<vmem>>, vector<1x16xf32>,
      %get3A_615 = arith.index_cast %scan3A_504 : i32 to index
      %get3A_616 = arith.constant 112 : index
      %get3A_617 = tpu.vector_load %arg9[%get3A_615, %get3A_616] {strides = array<i32>} : memref<128x128xf32, #tpu.memory_space<vmem>>, vector<1x16xf32>,
      %get3A_618 = vector.shape_cast %get3A_617 : vector<1x16xf32> to vector<16xf32>
      %add3A_619 = arith.constant 128 : i32
      %add3A_620 = arith.addi %add3A_619, %scan3A_504 : i32
      %get3A_621 = arith.index_cast %add3A_620 : i32 to index
      %get3A_622 = arith.constant 112 : index
      %get3A_623 = tpu.vector_load %arg7[%get3A_621, %get3A_622] {strides = array<i32>} : memref<256x128xf32, #tpu.memory_space<vmem>>, vector<1x16xf32>,
      %get3A_624 = vector.shape_cast %get3A_623 : vector<1x16xf32> to vector<16xf32>
      %add3A_625 = arith.addf %get3A_618, %get3A_624 : vector<16xf32>
      %swap3A_626 = arith.index_cast %scan3A_504 : i32 to index
      %swap3A_627 = arith.constant 112 : index
      %swap3A_628 = tpu.vector_load %arg9[%swap3A_626, %swap3A_627] {strides = array<i32>} : memref<128x128xf32, #tpu.memory_space<vmem>>, vector<1x16xf32>,
      %swap3A_629 = vector.shape_cast %swap3A_628 : vector<1x16xf32> to vector<16xf32>
      %swap3A_630 = vector.shape_cast %add3A_625 : vector<16xf32> to vector<1x16xf32>
      tpu.vector_store %arg9[%swap3A_626, %swap3A_627], %swap3A_630 {strides = array<i32>} : memref<128x128xf32, #tpu.memory_space<vmem>>, vector<1x16xf32>,
    }
    %scan3A_285 = arith.constant 128 : i32
    %add3A_286 = arith.constant 128 : i32
    %add3A_287 = arith.addi %mul3A_2, %add3A_286 : i32
    %dma_start3A_288 = arith.constant 0 : i32
    %dma_start3A_289 = arith.constant 0 : i32
    %dma_start3A_290 = tpu.memref_slice %arg5[%dma_start3A_288, %add3A_287, %dma_start3A_289] : memref<4x8192x128xf32, #tpu.memory_space<hbm>> -> memref<1x128x128xf32, #tpu.memory_space<hbm>>
    %dma_start3A_291 = tpu.memref_squeeze %dma_start3A_290 : memref<1x128x128xf32, #tpu.memory_space<hbm>> -> memref<128x128xf32, #tpu.memory_space<hbm>>
    %dma_start3A_292 = arith.constant 0 : i32
    %dma_start3A_293 = tpu.memref_slice %arg5[%dma_start3A_288, %add3A_287, %dma_start3A_292] : memref<4x8192x128xf32, #tpu.memory_space<hbm>> -> memref<1x128x128xf32, #tpu.memory_space<hbm>>
    %dma_start3A_294 = tpu.memref_squeeze %dma_start3A_293 : memref<1x128x128xf32, #tpu.memory_space<hbm>> -> memref<128x128xf32, #tpu.memory_space<hbm>>
    tpu.enqueue_dma source(%arg9 : memref<128x128xf32, #tpu.memory_space<vmem>>) target(%dma_start3A_294 : memref<128x128xf32, #tpu.memory_space<hbm>>) target_semaphore(%arg19 : memref<!tpu.dma_semaphore, #tpu.memory_space<semaphore_mem>>)
    %dma_wait3A_295 = arith.constant 0 : i32
    %dma_wait3A_296 = arith.constant 0 : i32
    %dma_wait3A_297 = tpu.memref_slice %arg5[%dma_wait3A_295, %add3A_258, %dma_wait3A_296] : memref<4x8192x128xf32, #tpu.memory_space<hbm>> -> memref<1x128x128xf32, #tpu.memory_space<hbm>>
    %dma_wait3A_298 = tpu.memref_squeeze %dma_wait3A_297 : memref<1x128x128xf32, #tpu.memory_space<hbm>> -> memref<128x128xf32, #tpu.memory_space<hbm>>
    %dma_wait3A_299 = arith.constant 0 : i32
    %dma_wait3A_300 = tpu.memref_slice %arg5[%dma_wait3A_295, %add3A_258, %dma_wait3A_299] : memref<4x8192x128xf32, #tpu.memory_space<hbm>> -> memref<1x128x128xf32, #tpu.memory_space<hbm>>
    %dma_wait3A_301 = tpu.memref_squeeze %dma_wait3A_300 : memref<1x128x128xf32, #tpu.memory_space<hbm>> -> memref<128x128xf32, #tpu.memory_space<hbm>>
    tpu.wait_dma2 semaphore(%arg18 : memref<!tpu.dma_semaphore, #tpu.memory_space<semaphore_mem>>) src(%arg8 : memref<128x128xf32, #tpu.memory_space<vmem>>) dst(%dma_wait3A_301 : memref<128x128xf32, #tpu.memory_space<hbm>>)
    %dma_start3A_302 = arith.constant 5 : i32
    %dma_start3A_303 = arith.constant 0 : i32
    %dma_start3A_304 = tpu.memref_slice %arg6[%dma_start3A_302, %dma_start3A_303] : memref<8x128xi32, #tpu.memory_space<vmem>> -> memref<1x128xi32, #tpu.memory_space<vmem>>
    %dma_start3A_305 = tpu.memref_squeeze %dma_start3A_304 : memref<1x128xi32, #tpu.memory_space<vmem>> -> memref<128xi32, #tpu.memory_space<vmem>>
    %dma_start3A_306 = arith.constant 0 : i32
    %dma_start3A_307 = arith.constant 0 : i32
    %dma_start3A_308 = tpu.memref_slice %arg3[%dma_start3A_306, %dma_start3A_307] : memref<100000x128xf32, #tpu.memory_space<hbm>> -> memref<100000x128xf32, #tpu.memory_space<hbm>>
    tpu.enqueue_indirect_dma source(%dma_start3A_308 : memref<100000x128xf32, #tpu.memory_space<hbm>>) target(%arg8 : memref<128x128xf32, #tpu.memory_space<vmem>>) offsets(%dma_start3A_305 : memref<128xi32, #tpu.memory_space<vmem>>) semaphore(%arg13 : memref<!tpu.dma_semaphore, #tpu.memory_space<semaphore_mem>>)
    %dma_wait3A_309 = arith.constant 2 : i32
    %dma_wait3A_310 = arith.constant 0 : i32
    %dma_wait3A_311 = tpu.memref_slice %arg6[%dma_wait3A_309, %dma_wait3A_310] : memref<8x128xi32, #tpu.memory_space<vmem>> -> memref<1x128xi32, #tpu.memory_space<vmem>>
    %dma_wait3A_312 = tpu.memref_squeeze %dma_wait3A_311 : memref<1x128xi32, #tpu.memory_space<vmem>> -> memref<128xi32, #tpu.memory_space<vmem>>
    %dma_wait3A_313 = arith.constant 0 : i32
    %dma_wait3A_314 = arith.constant 0 : i32
    %dma_wait3A_315 = tpu.memref_slice %arg3[%dma_wait3A_313, %dma_wait3A_314] : memref<100000x128xf32, #tpu.memory_space<hbm>> -> memref<100000x128xf32, #tpu.memory_space<hbm>>
    tpu.wait_indirect_dma semaphore(%arg15 : memref<!tpu.dma_semaphore, #tpu.memory_space<semaphore_mem>>) src(%dma_wait3A_315 : memref<100000x128xf32, #tpu.memory_space<hbm>>) dst(%arg10 : memref<128x128xf32, #tpu.memory_space<vmem>>)
    %scan3A_316 = arith.constant 0 : i32
    %scan3A_317 = arith.constant 0 : i32
    %scan3A_318 = arith.constant 128 : i32
    %scan3A_319 = arith.addi %scan3A_317, %scan3A_318 : i32
    %scan3A_320 = arith.constant 1 : i32
    scf.for %scan3A_504 = %scan3A_317 to %scan3A_319 step %scan3A_320  : i32 {
      %get3A = arith.index_cast %scan3A_504 : i32 to index
      %get3A_505 = arith.constant 0 : index
      %get3A_506 = tpu.vector_load %arg10[%get3A, %get3A_505] {strides = array<i32>} : memref<128x128xf32, #tpu.memory_space<vmem>>, vector<1x16xf32>,
      %get3A_507 = vector.shape_cast %get3A_506 : vector<1x16xf32> to vector<16xf32>
      %add3A_508 = arith.constant 0 : i32
      %add3A_509 = arith.addi %add3A_508, %scan3A_504 : i32
      %get3A_510 = arith.index_cast %add3A_509 : i32 to index
      %get3A_511 = arith.constant 0 : index
      %get3A_512 = tpu.vector_load %arg7[%get3A_510, %get3A_511] {strides = array<i32>} : memref<256x128xf32, #tpu.memory_space<vmem>>, vector<1x16xf32>,
      %get3A_513 = vector.shape_cast %get3A_512 : vector<1x16xf32> to vector<16xf32>
      %add3A_514 = arith.addf %get3A_507, %get3A_513 : vector<16xf32>
      %swap3A = arith.index_cast %scan3A_504 : i32 to index
      %swap3A_515 = arith.constant 0 : index
      %swap3A_516 = tpu.vector_load %arg10[%swap3A, %swap3A_515] {strides = array<i32>} : memref<128x128xf32, #tpu.memory_space<vmem>>, vector<1x16xf32>,
      %swap3A_517 = vector.shape_cast %swap3A_516 : vector<1x16xf32> to vector<16xf32>
      %swap3A_518 = vector.shape_cast %add3A_514 : vector<16xf32> to vector<1x16xf32>
      tpu.vector_store %arg10[%swap3A, %swap3A_515], %swap3A_518 {strides = array<i32>} : memref<128x128xf32, #tpu.memory_space<vmem>>, vector<1x16xf32>,
      %get3A_519 = arith.index_cast %scan3A_504 : i32 to index
      %get3A_520 = arith.constant 16 : index
      %get3A_521 = tpu.vector_load %arg10[%get3A_519, %get3A_520] {strides = array<i32>} : memref<128x128xf32, #tpu.memory_space<vmem>>, vector<1x16xf32>,
      %get3A_522 = vector.shape_cast %get3A_521 : vector<1x16xf32> to vector<16xf32>
      %add3A_523 = arith.constant 0 : i32
      %add3A_524 = arith.addi %add3A_523, %scan3A_504 : i32
      %get3A_525 = arith.index_cast %add3A_524 : i32 to index
      %get3A_526 = arith.constant 16 : index
      %get3A_527 = tpu.vector_load %arg7[%get3A_525, %get3A_526] {strides = array<i32>} : memref<256x128xf32, #tpu.memory_space<vmem>>, vector<1x16xf32>,
      %get3A_528 = vector.shape_cast %get3A_527 : vector<1x16xf32> to vector<16xf32>
      %add3A_529 = arith.addf %get3A_522, %get3A_528 : vector<16xf32>
      %swap3A_530 = arith.index_cast %scan3A_504 : i32 to index
      %swap3A_531 = arith.constant 16 : index
      %swap3A_532 = tpu.vector_load %arg10[%swap3A_530, %swap3A_531] {strides = array<i32>} : memref<128x128xf32, #tpu.memory_space<vmem>>, vector<1x16xf32>,
      %swap3A_533 = vector.shape_cast %swap3A_532 : vector<1x16xf32> to vector<16xf32>
      %swap3A_534 = vector.shape_cast %add3A_529 : vector<16xf32> to vector<1x16xf32>
      tpu.vector_store %arg10[%swap3A_530, %swap3A_531], %swap3A_534 {strides = array<i32>} : memref<128x128xf32, #tpu.memory_space<vmem>>, vector<1x16xf32>,
      %get3A_535 = arith.index_cast %scan3A_504 : i32 to index
      %get3A_536 = arith.constant 32 : index
      %get3A_537 = tpu.vector_load %arg10[%get3A_535, %get3A_536] {strides = array<i32>} : memref<128x128xf32, #tpu.memory_space<vmem>>, vector<1x16xf32>,
      %get3A_538 = vector.shape_cast %get3A_537 : vector<1x16xf32> to vector<16xf32>
      %add3A_539 = arith.constant 0 : i32
      %add3A_540 = arith.addi %add3A_539, %scan3A_504 : i32
      %get3A_541 = arith.index_cast %add3A_540 : i32 to index
      %get3A_542 = arith.constant 32 : index
      %get3A_543 = tpu.vector_load %arg7[%get3A_541, %get3A_542] {strides = array<i32>} : memref<256x128xf32, #tpu.memory_space<vmem>>, vector<1x16xf32>,
      %get3A_544 = vector.shape_cast %get3A_543 : vector<1x16xf32> to vector<16xf32>
      %add3A_545 = arith.addf %get3A_538, %get3A_544 : vector<16xf32>
      %swap3A_546 = arith.index_cast %scan3A_504 : i32 to index
      %swap3A_547 = arith.constant 32 : index
      %swap3A_548 = tpu.vector_load %arg10[%swap3A_546, %swap3A_547] {strides = array<i32>} : memref<128x128xf32, #tpu.memory_space<vmem>>, vector<1x16xf32>,
      %swap3A_549 = vector.shape_cast %swap3A_548 : vector<1x16xf32> to vector<16xf32>
      %swap3A_550 = vector.shape_cast %add3A_545 : vector<16xf32> to vector<1x16xf32>
      tpu.vector_store %arg10[%swap3A_546, %swap3A_547], %swap3A_550 {strides = array<i32>} : memref<128x128xf32, #tpu.memory_space<vmem>>, vector<1x16xf32>,
      %get3A_551 = arith.index_cast %scan3A_504 : i32 to index
      %get3A_552 = arith.constant 48 : index
      %get3A_553 = tpu.vector_load %arg10[%get3A_551, %get3A_552] {strides = array<i32>} : memref<128x128xf32, #tpu.memory_space<vmem>>, vector<1x16xf32>,
      %get3A_554 = vector.shape_cast %get3A_553 : vector<1x16xf32> to vector<16xf32>
      %add3A_555 = arith.constant 0 : i32
      %add3A_556 = arith.addi %add3A_555, %scan3A_504 : i32
      %get3A_557 = arith.index_cast %add3A_556 : i32 to index
      %get3A_558 = arith.constant 48 : index
      %get3A_559 = tpu.vector_load %arg7[%get3A_557, %get3A_558] {strides = array<i32>} : memref<256x128xf32, #tpu.memory_space<vmem>>, vector<1x16xf32>,
      %get3A_560 = vector.shape_cast %get3A_559 : vector<1x16xf32> to vector<16xf32>
      %add3A_561 = arith.addf %get3A_554, %get3A_560 : vector<16xf32>
      %swap3A_562 = arith.index_cast %scan3A_504 : i32 to index
      %swap3A_563 = arith.constant 48 : index
      %swap3A_564 = tpu.vector_load %arg10[%swap3A_562, %swap3A_563] {strides = array<i32>} : memref<128x128xf32, #tpu.memory_space<vmem>>, vector<1x16xf32>,
      %swap3A_565 = vector.shape_cast %swap3A_564 : vector<1x16xf32> to vector<16xf32>
      %swap3A_566 = vector.shape_cast %add3A_561 : vector<16xf32> to vector<1x16xf32>
      tpu.vector_store %arg10[%swap3A_562, %swap3A_563], %swap3A_566 {strides = array<i32>} : memref<128x128xf32, #tpu.memory_space<vmem>>, vector<1x16xf32>,
      %get3A_567 = arith.index_cast %scan3A_504 : i32 to index
      %get3A_568 = arith.constant 64 : index
      %get3A_569 = tpu.vector_load %arg10[%get3A_567, %get3A_568] {strides = array<i32>} : memref<128x128xf32, #tpu.memory_space<vmem>>, vector<1x16xf32>,
      %get3A_570 = vector.shape_cast %get3A_569 : vector<1x16xf32> to vector<16xf32>
      %add3A_571 = arith.constant 0 : i32
      %add3A_572 = arith.addi %add3A_571, %scan3A_504 : i32
      %get3A_573 = arith.index_cast %add3A_572 : i32 to index
      %get3A_574 = arith.constant 64 : index
      %get3A_575 = tpu.vector_load %arg7[%get3A_573, %get3A_574] {strides = array<i32>} : memref<256x128xf32, #tpu.memory_space<vmem>>, vector<1x16xf32>,
      %get3A_576 = vector.shape_cast %get3A_575 : vector<1x16xf32> to vector<16xf32>
      %add3A_577 = arith.addf %get3A_570, %get3A_576 : vector<16xf32>
      %swap3A_578 = arith.index_cast %scan3A_504 : i32 to index
      %swap3A_579 = arith.constant 64 : index
      %swap3A_580 = tpu.vector_load %arg10[%swap3A_578, %swap3A_579] {strides = array<i32>} : memref<128x128xf32, #tpu.memory_space<vmem>>, vector<1x16xf32>,
      %swap3A_581 = vector.shape_cast %swap3A_580 : vector<1x16xf32> to vector<16xf32>
      %swap3A_582 = vector.shape_cast %add3A_577 : vector<16xf32> to vector<1x16xf32>
      tpu.vector_store %arg10[%swap3A_578, %swap3A_579], %swap3A_582 {strides = array<i32>} : memref<128x128xf32, #tpu.memory_space<vmem>>, vector<1x16xf32>,
      %get3A_583 = arith.index_cast %scan3A_504 : i32 to index
      %get3A_584 = arith.constant 80 : index
      %get3A_585 = tpu.vector_load %arg10[%get3A_583, %get3A_584] {strides = array<i32>} : memref<128x128xf32, #tpu.memory_space<vmem>>, vector<1x16xf32>,
      %get3A_586 = vector.shape_cast %get3A_585 : vector<1x16xf32> to vector<16xf32>
      %add3A_587 = arith.constant 0 : i32
      %add3A_588 = arith.addi %add3A_587, %scan3A_504 : i32
      %get3A_589 = arith.index_cast %add3A_588 : i32 to index
      %get3A_590 = arith.constant 80 : index
      %get3A_591 = tpu.vector_load %arg7[%get3A_589, %get3A_590] {strides = array<i32>} : memref<256x128xf32, #tpu.memory_space<vmem>>, vector<1x16xf32>,
      %get3A_592 = vector.shape_cast %get3A_591 : vector<1x16xf32> to vector<16xf32>
      %add3A_593 = arith.addf %get3A_586, %get3A_592 : vector<16xf32>
      %swap3A_594 = arith.index_cast %scan3A_504 : i32 to index
      %swap3A_595 = arith.constant 80 : index
      %swap3A_596 = tpu.vector_load %arg10[%swap3A_594, %swap3A_595] {strides = array<i32>} : memref<128x128xf32, #tpu.memory_space<vmem>>, vector<1x16xf32>,
      %swap3A_597 = vector.shape_cast %swap3A_596 : vector<1x16xf32> to vector<16xf32>
      %swap3A_598 = vector.shape_cast %add3A_593 : vector<16xf32> to vector<1x16xf32>
      tpu.vector_store %arg10[%swap3A_594, %swap3A_595], %swap3A_598 {strides = array<i32>} : memref<128x128xf32, #tpu.memory_space<vmem>>, vector<1x16xf32>,
      %get3A_599 = arith.index_cast %scan3A_504 : i32 to index
      %get3A_600 = arith.constant 96 : index
      %get3A_601 = tpu.vector_load %arg10[%get3A_599, %get3A_600] {strides = array<i32>} : memref<128x128xf32, #tpu.memory_space<vmem>>, vector<1x16xf32>,
      %get3A_602 = vector.shape_cast %get3A_601 : vector<1x16xf32> to vector<16xf32>
      %add3A_603 = arith.constant 0 : i32
      %add3A_604 = arith.addi %add3A_603, %scan3A_504 : i32
      %get3A_605 = arith.index_cast %add3A_604 : i32 to index
      %get3A_606 = arith.constant 96 : index
      %get3A_607 = tpu.vector_load %arg7[%get3A_605, %get3A_606] {strides = array<i32>} : memref<256x128xf32, #tpu.memory_space<vmem>>, vector<1x16xf32>,
      %get3A_608 = vector.shape_cast %get3A_607 : vector<1x16xf32> to vector<16xf32>
      %add3A_609 = arith.addf %get3A_602, %get3A_608 : vector<16xf32>
      %swap3A_610 = arith.index_cast %scan3A_504 : i32 to index
      %swap3A_611 = arith.constant 96 : index
      %swap3A_612 = tpu.vector_load %arg10[%swap3A_610, %swap3A_611] {strides = array<i32>} : memref<128x128xf32, #tpu.memory_space<vmem>>, vector<1x16xf32>,
      %swap3A_613 = vector.shape_cast %swap3A_612 : vector<1x16xf32> to vector<16xf32>
      %swap3A_614 = vector.shape_cast %add3A_609 : vector<16xf32> to vector<1x16xf32>
      tpu.vector_store %arg10[%swap3A_610, %swap3A_611], %swap3A_614 {strides = array<i32>} : memref<128x128xf32, #tpu.memory_space<vmem>>, vector<1x16xf32>,
      %get3A_615 = arith.index_cast %scan3A_504 : i32 to index
      %get3A_616 = arith.constant 112 : index
      %get3A_617 = tpu.vector_load %arg10[%get3A_615, %get3A_616] {strides = array<i32>} : memref<128x128xf32, #tpu.memory_space<vmem>>, vector<1x16xf32>,
      %get3A_618 = vector.shape_cast %get3A_617 : vector<1x16xf32> to vector<16xf32>
      %add3A_619 = arith.constant 0 : i32
      %add3A_620 = arith.addi %add3A_619, %scan3A_504 : i32
      %get3A_621 = arith.index_cast %add3A_620 : i32 to index
      %get3A_622 = arith.constant 112 : index
      %get3A_623 = tpu.vector_load %arg7[%get3A_621, %get3A_622] {strides = array<i32>} : memref<256x128xf32, #tpu.memory_space<vmem>>, vector<1x16xf32>,
      %get3A_624 = vector.shape_cast %get3A_623 : vector<1x16xf32> to vector<16xf32>
      %add3A_625 = arith.addf %get3A_618, %get3A_624 : vector<16xf32>
      %swap3A_626 = arith.index_cast %scan3A_504 : i32 to index
      %swap3A_627 = arith.constant 112 : index
      %swap3A_628 = tpu.vector_load %arg10[%swap3A_626, %swap3A_627] {strides = array<i32>} : memref<128x128xf32, #tpu.memory_space<vmem>>, vector<1x16xf32>,
      %swap3A_629 = vector.shape_cast %swap3A_628 : vector<1x16xf32> to vector<16xf32>
      %swap3A_630 = vector.shape_cast %add3A_625 : vector<16xf32> to vector<1x16xf32>
      tpu.vector_store %arg10[%swap3A_626, %swap3A_627], %swap3A_630 {strides = array<i32>} : memref<128x128xf32, #tpu.memory_space<vmem>>, vector<1x16xf32>,
    }
    %scan3A_321 = arith.constant 128 : i32
    %add3A_322 = arith.constant 0 : i32
    %add3A_323 = arith.addi %mul3A_2, %add3A_322 : i32
    %dma_start3A_324 = arith.constant 1 : i32
    %dma_start3A_325 = arith.constant 0 : i32
    %dma_start3A_326 = tpu.memref_slice %arg5[%dma_start3A_324, %add3A_323, %dma_start3A_325] : memref<4x8192x128xf32, #tpu.memory_space<hbm>> -> memref<1x128x128xf32, #tpu.memory_space<hbm>>
    %dma_start3A_327 = tpu.memref_squeeze %dma_start3A_326 : memref<1x128x128xf32, #tpu.memory_space<hbm>> -> memref<128x128xf32, #tpu.memory_space<hbm>>
    %dma_start3A_328 = arith.constant 0 : i32
    %dma_start3A_329 = tpu.memref_slice %arg5[%dma_start3A_324, %add3A_323, %dma_start3A_328] : memref<4x8192x128xf32, #tpu.memory_space<hbm>> -> memref<1x128x128xf32, #tpu.memory_space<hbm>>
    %dma_start3A_330 = tpu.memref_squeeze %dma_start3A_329 : memref<1x128x128xf32, #tpu.memory_space<hbm>> -> memref<128x128xf32, #tpu.memory_space<hbm>>
    tpu.enqueue_dma source(%arg10 : memref<128x128xf32, #tpu.memory_space<vmem>>) target(%dma_start3A_330 : memref<128x128xf32, #tpu.memory_space<hbm>>) target_semaphore(%arg20 : memref<!tpu.dma_semaphore, #tpu.memory_space<semaphore_mem>>)
    %dma_wait3A_331 = arith.constant 0 : i32
    %dma_wait3A_332 = arith.constant 0 : i32
    %dma_wait3A_333 = tpu.memref_slice %arg5[%dma_wait3A_331, %add3A_287, %dma_wait3A_332] : memref<4x8192x128xf32, #tpu.memory_space<hbm>> -> memref<1x128x128xf32, #tpu.memory_space<hbm>>
    %dma_wait3A_334 = tpu.memref_squeeze %dma_wait3A_333 : memref<1x128x128xf32, #tpu.memory_space<hbm>> -> memref<128x128xf32, #tpu.memory_space<hbm>>
    %dma_wait3A_335 = arith.constant 0 : i32
    %dma_wait3A_336 = tpu.memref_slice %arg5[%dma_wait3A_331, %add3A_287, %dma_wait3A_335] : memref<4x8192x128xf32, #tpu.memory_space<hbm>> -> memref<1x128x128xf32, #tpu.memory_space<hbm>>
    %dma_wait3A_337 = tpu.memref_squeeze %dma_wait3A_336 : memref<1x128x128xf32, #tpu.memory_space<hbm>> -> memref<128x128xf32, #tpu.memory_space<hbm>>
    tpu.wait_dma2 semaphore(%arg19 : memref<!tpu.dma_semaphore, #tpu.memory_space<semaphore_mem>>) src(%arg9 : memref<128x128xf32, #tpu.memory_space<vmem>>) dst(%dma_wait3A_337 : memref<128x128xf32, #tpu.memory_space<hbm>>)
    %dma_start3A_338 = arith.constant 6 : i32
    %dma_start3A_339 = arith.constant 0 : i32
    %dma_start3A_340 = tpu.memref_slice %arg6[%dma_start3A_338, %dma_start3A_339] : memref<8x128xi32, #tpu.memory_space<vmem>> -> memref<1x128xi32, #tpu.memory_space<vmem>>
    %dma_start3A_341 = tpu.memref_squeeze %dma_start3A_340 : memref<1x128xi32, #tpu.memory_space<vmem>> -> memref<128xi32, #tpu.memory_space<vmem>>
    %dma_start3A_342 = arith.constant 0 : i32
    %dma_start3A_343 = arith.constant 0 : i32
    %dma_start3A_344 = tpu.memref_slice %arg3[%dma_start3A_342, %dma_start3A_343] : memref<100000x128xf32, #tpu.memory_space<hbm>> -> memref<100000x128xf32, #tpu.memory_space<hbm>>
    tpu.enqueue_indirect_dma source(%dma_start3A_344 : memref<100000x128xf32, #tpu.memory_space<hbm>>) target(%arg9 : memref<128x128xf32, #tpu.memory_space<vmem>>) offsets(%dma_start3A_341 : memref<128xi32, #tpu.memory_space<vmem>>) semaphore(%arg14 : memref<!tpu.dma_semaphore, #tpu.memory_space<semaphore_mem>>)
    %dma_wait3A_345 = arith.constant 3 : i32
    %dma_wait3A_346 = arith.constant 0 : i32
    %dma_wait3A_347 = tpu.memref_slice %arg6[%dma_wait3A_345, %dma_wait3A_346] : memref<8x128xi32, #tpu.memory_space<vmem>> -> memref<1x128xi32, #tpu.memory_space<vmem>>
    %dma_wait3A_348 = tpu.memref_squeeze %dma_wait3A_347 : memref<1x128xi32, #tpu.memory_space<vmem>> -> memref<128xi32, #tpu.memory_space<vmem>>
    %dma_wait3A_349 = arith.constant 0 : i32
    %dma_wait3A_350 = arith.constant 0 : i32
    %dma_wait3A_351 = tpu.memref_slice %arg3[%dma_wait3A_349, %dma_wait3A_350] : memref<100000x128xf32, #tpu.memory_space<hbm>> -> memref<100000x128xf32, #tpu.memory_space<hbm>>
    tpu.wait_indirect_dma semaphore(%arg16 : memref<!tpu.dma_semaphore, #tpu.memory_space<semaphore_mem>>) src(%dma_wait3A_351 : memref<100000x128xf32, #tpu.memory_space<hbm>>) dst(%arg11 : memref<128x128xf32, #tpu.memory_space<vmem>>)
    %scan3A_352 = arith.constant 0 : i32
    %scan3A_353 = arith.constant 0 : i32
    %scan3A_354 = arith.constant 128 : i32
    %scan3A_355 = arith.addi %scan3A_353, %scan3A_354 : i32
    %scan3A_356 = arith.constant 1 : i32
    scf.for %scan3A_504 = %scan3A_353 to %scan3A_355 step %scan3A_356  : i32 {
      %get3A = arith.index_cast %scan3A_504 : i32 to index
      %get3A_505 = arith.constant 0 : index
      %get3A_506 = tpu.vector_load %arg11[%get3A, %get3A_505] {strides = array<i32>} : memref<128x128xf32, #tpu.memory_space<vmem>>, vector<1x16xf32>,
      %get3A_507 = vector.shape_cast %get3A_506 : vector<1x16xf32> to vector<16xf32>
      %add3A_508 = arith.constant 128 : i32
      %add3A_509 = arith.addi %add3A_508, %scan3A_504 : i32
      %get3A_510 = arith.index_cast %add3A_509 : i32 to index
      %get3A_511 = arith.constant 0 : index
      %get3A_512 = tpu.vector_load %arg7[%get3A_510, %get3A_511] {strides = array<i32>} : memref<256x128xf32, #tpu.memory_space<vmem>>, vector<1x16xf32>,
      %get3A_513 = vector.shape_cast %get3A_512 : vector<1x16xf32> to vector<16xf32>
      %add3A_514 = arith.addf %get3A_507, %get3A_513 : vector<16xf32>
      %swap3A = arith.index_cast %scan3A_504 : i32 to index
      %swap3A_515 = arith.constant 0 : index
      %swap3A_516 = tpu.vector_load %arg11[%swap3A, %swap3A_515] {strides = array<i32>} : memref<128x128xf32, #tpu.memory_space<vmem>>, vector<1x16xf32>,
      %swap3A_517 = vector.shape_cast %swap3A_516 : vector<1x16xf32> to vector<16xf32>
      %swap3A_518 = vector.shape_cast %add3A_514 : vector<16xf32> to vector<1x16xf32>
      tpu.vector_store %arg11[%swap3A, %swap3A_515], %swap3A_518 {strides = array<i32>} : memref<128x128xf32, #tpu.memory_space<vmem>>, vector<1x16xf32>,
      %get3A_519 = arith.index_cast %scan3A_504 : i32 to index
      %get3A_520 = arith.constant 16 : index
      %get3A_521 = tpu.vector_load %arg11[%get3A_519, %get3A_520] {strides = array<i32>} : memref<128x128xf32, #tpu.memory_space<vmem>>, vector<1x16xf32>,
      %get3A_522 = vector.shape_cast %get3A_521 : vector<1x16xf32> to vector<16xf32>
      %add3A_523 = arith.constant 128 : i32
      %add3A_524 = arith.addi %add3A_523, %scan3A_504 : i32
      %get3A_525 = arith.index_cast %add3A_524 : i32 to index
      %get3A_526 = arith.constant 16 : index
      %get3A_527 = tpu.vector_load %arg7[%get3A_525, %get3A_526] {strides = array<i32>} : memref<256x128xf32, #tpu.memory_space<vmem>>, vector<1x16xf32>,
      %get3A_528 = vector.shape_cast %get3A_527 : vector<1x16xf32> to vector<16xf32>
      %add3A_529 = arith.addf %get3A_522, %get3A_528 : vector<16xf32>
      %swap3A_530 = arith.index_cast %scan3A_504 : i32 to index
      %swap3A_531 = arith.constant 16 : index
      %swap3A_532 = tpu.vector_load %arg11[%swap3A_530, %swap3A_531] {strides = array<i32>} : memref<128x128xf32, #tpu.memory_space<vmem>>, vector<1x16xf32>,
      %swap3A_533 = vector.shape_cast %swap3A_532 : vector<1x16xf32> to vector<16xf32>
      %swap3A_534 = vector.shape_cast %add3A_529 : vector<16xf32> to vector<1x16xf32>
      tpu.vector_store %arg11[%swap3A_530, %swap3A_531], %swap3A_534 {strides = array<i32>} : memref<128x128xf32, #tpu.memory_space<vmem>>, vector<1x16xf32>,
      %get3A_535 = arith.index_cast %scan3A_504 : i32 to index
      %get3A_536 = arith.constant 32 : index
      %get3A_537 = tpu.vector_load %arg11[%get3A_535, %get3A_536] {strides = array<i32>} : memref<128x128xf32, #tpu.memory_space<vmem>>, vector<1x16xf32>,
      %get3A_538 = vector.shape_cast %get3A_537 : vector<1x16xf32> to vector<16xf32>
      %add3A_539 = arith.constant 128 : i32
      %add3A_540 = arith.addi %add3A_539, %scan3A_504 : i32
      %get3A_541 = arith.index_cast %add3A_540 : i32 to index
      %get3A_542 = arith.constant 32 : index
      %get3A_543 = tpu.vector_load %arg7[%get3A_541, %get3A_542] {strides = array<i32>} : memref<256x128xf32, #tpu.memory_space<vmem>>, vector<1x16xf32>,
      %get3A_544 = vector.shape_cast %get3A_543 : vector<1x16xf32> to vector<16xf32>
      %add3A_545 = arith.addf %get3A_538, %get3A_544 : vector<16xf32>
      %swap3A_546 = arith.index_cast %scan3A_504 : i32 to index
      %swap3A_547 = arith.constant 32 : index
      %swap3A_548 = tpu.vector_load %arg11[%swap3A_546, %swap3A_547] {strides = array<i32>} : memref<128x128xf32, #tpu.memory_space<vmem>>, vector<1x16xf32>,
      %swap3A_549 = vector.shape_cast %swap3A_548 : vector<1x16xf32> to vector<16xf32>
      %swap3A_550 = vector.shape_cast %add3A_545 : vector<16xf32> to vector<1x16xf32>
      tpu.vector_store %arg11[%swap3A_546, %swap3A_547], %swap3A_550 {strides = array<i32>} : memref<128x128xf32, #tpu.memory_space<vmem>>, vector<1x16xf32>,
      %get3A_551 = arith.index_cast %scan3A_504 : i32 to index
      %get3A_552 = arith.constant 48 : index
      %get3A_553 = tpu.vector_load %arg11[%get3A_551, %get3A_552] {strides = array<i32>} : memref<128x128xf32, #tpu.memory_space<vmem>>, vector<1x16xf32>,
      %get3A_554 = vector.shape_cast %get3A_553 : vector<1x16xf32> to vector<16xf32>
      %add3A_555 = arith.constant 128 : i32
      %add3A_556 = arith.addi %add3A_555, %scan3A_504 : i32
      %get3A_557 = arith.index_cast %add3A_556 : i32 to index
      %get3A_558 = arith.constant 48 : index
      %get3A_559 = tpu.vector_load %arg7[%get3A_557, %get3A_558] {strides = array<i32>} : memref<256x128xf32, #tpu.memory_space<vmem>>, vector<1x16xf32>,
      %get3A_560 = vector.shape_cast %get3A_559 : vector<1x16xf32> to vector<16xf32>
      %add3A_561 = arith.addf %get3A_554, %get3A_560 : vector<16xf32>
      %swap3A_562 = arith.index_cast %scan3A_504 : i32 to index
      %swap3A_563 = arith.constant 48 : index
      %swap3A_564 = tpu.vector_load %arg11[%swap3A_562, %swap3A_563] {strides = array<i32>} : memref<128x128xf32, #tpu.memory_space<vmem>>, vector<1x16xf32>,
      %swap3A_565 = vector.shape_cast %swap3A_564 : vector<1x16xf32> to vector<16xf32>
      %swap3A_566 = vector.shape_cast %add3A_561 : vector<16xf32> to vector<1x16xf32>
      tpu.vector_store %arg11[%swap3A_562, %swap3A_563], %swap3A_566 {strides = array<i32>} : memref<128x128xf32, #tpu.memory_space<vmem>>, vector<1x16xf32>,
      %get3A_567 = arith.index_cast %scan3A_504 : i32 to index
      %get3A_568 = arith.constant 64 : index
      %get3A_569 = tpu.vector_load %arg11[%get3A_567, %get3A_568] {strides = array<i32>} : memref<128x128xf32, #tpu.memory_space<vmem>>, vector<1x16xf32>,
      %get3A_570 = vector.shape_cast %get3A_569 : vector<1x16xf32> to vector<16xf32>
      %add3A_571 = arith.constant 128 : i32
      %add3A_572 = arith.addi %add3A_571, %scan3A_504 : i32
      %get3A_573 = arith.index_cast %add3A_572 : i32 to index
      %get3A_574 = arith.constant 64 : index
      %get3A_575 = tpu.vector_load %arg7[%get3A_573, %get3A_574] {strides = array<i32>} : memref<256x128xf32, #tpu.memory_space<vmem>>, vector<1x16xf32>,
      %get3A_576 = vector.shape_cast %get3A_575 : vector<1x16xf32> to vector<16xf32>
      %add3A_577 = arith.addf %get3A_570, %get3A_576 : vector<16xf32>
      %swap3A_578 = arith.index_cast %scan3A_504 : i32 to index
      %swap3A_579 = arith.constant 64 : index
      %swap3A_580 = tpu.vector_load %arg11[%swap3A_578, %swap3A_579] {strides = array<i32>} : memref<128x128xf32, #tpu.memory_space<vmem>>, vector<1x16xf32>,
      %swap3A_581 = vector.shape_cast %swap3A_580 : vector<1x16xf32> to vector<16xf32>
      %swap3A_582 = vector.shape_cast %add3A_577 : vector<16xf32> to vector<1x16xf32>
      tpu.vector_store %arg11[%swap3A_578, %swap3A_579], %swap3A_582 {strides = array<i32>} : memref<128x128xf32, #tpu.memory_space<vmem>>, vector<1x16xf32>,
      %get3A_583 = arith.index_cast %scan3A_504 : i32 to index
      %get3A_584 = arith.constant 80 : index
      %get3A_585 = tpu.vector_load %arg11[%get3A_583, %get3A_584] {strides = array<i32>} : memref<128x128xf32, #tpu.memory_space<vmem>>, vector<1x16xf32>,
      %get3A_586 = vector.shape_cast %get3A_585 : vector<1x16xf32> to vector<16xf32>
      %add3A_587 = arith.constant 128 : i32
      %add3A_588 = arith.addi %add3A_587, %scan3A_504 : i32
      %get3A_589 = arith.index_cast %add3A_588 : i32 to index
      %get3A_590 = arith.constant 80 : index
      %get3A_591 = tpu.vector_load %arg7[%get3A_589, %get3A_590] {strides = array<i32>} : memref<256x128xf32, #tpu.memory_space<vmem>>, vector<1x16xf32>,
      %get3A_592 = vector.shape_cast %get3A_591 : vector<1x16xf32> to vector<16xf32>
      %add3A_593 = arith.addf %get3A_586, %get3A_592 : vector<16xf32>
      %swap3A_594 = arith.index_cast %scan3A_504 : i32 to index
      %swap3A_595 = arith.constant 80 : index
      %swap3A_596 = tpu.vector_load %arg11[%swap3A_594, %swap3A_595] {strides = array<i32>} : memref<128x128xf32, #tpu.memory_space<vmem>>, vector<1x16xf32>,
      %swap3A_597 = vector.shape_cast %swap3A_596 : vector<1x16xf32> to vector<16xf32>
      %swap3A_598 = vector.shape_cast %add3A_593 : vector<16xf32> to vector<1x16xf32>
      tpu.vector_store %arg11[%swap3A_594, %swap3A_595], %swap3A_598 {strides = array<i32>} : memref<128x128xf32, #tpu.memory_space<vmem>>, vector<1x16xf32>,
      %get3A_599 = arith.index_cast %scan3A_504 : i32 to index
      %get3A_600 = arith.constant 96 : index
      %get3A_601 = tpu.vector_load %arg11[%get3A_599, %get3A_600] {strides = array<i32>} : memref<128x128xf32, #tpu.memory_space<vmem>>, vector<1x16xf32>,
      %get3A_602 = vector.shape_cast %get3A_601 : vector<1x16xf32> to vector<16xf32>
      %add3A_603 = arith.constant 128 : i32
      %add3A_604 = arith.addi %add3A_603, %scan3A_504 : i32
      %get3A_605 = arith.index_cast %add3A_604 : i32 to index
      %get3A_606 = arith.constant 96 : index
      %get3A_607 = tpu.vector_load %arg7[%get3A_605, %get3A_606] {strides = array<i32>} : memref<256x128xf32, #tpu.memory_space<vmem>>, vector<1x16xf32>,
      %get3A_608 = vector.shape_cast %get3A_607 : vector<1x16xf32> to vector<16xf32>
      %add3A_609 = arith.addf %get3A_602, %get3A_608 : vector<16xf32>
      %swap3A_610 = arith.index_cast %scan3A_504 : i32 to index
      %swap3A_611 = arith.constant 96 : index
      %swap3A_612 = tpu.vector_load %arg11[%swap3A_610, %swap3A_611] {strides = array<i32>} : memref<128x128xf32, #tpu.memory_space<vmem>>, vector<1x16xf32>,
      %swap3A_613 = vector.shape_cast %swap3A_612 : vector<1x16xf32> to vector<16xf32>
      %swap3A_614 = vector.shape_cast %add3A_609 : vector<16xf32> to vector<1x16xf32>
      tpu.vector_store %arg11[%swap3A_610, %swap3A_611], %swap3A_614 {strides = array<i32>} : memref<128x128xf32, #tpu.memory_space<vmem>>, vector<1x16xf32>,
      %get3A_615 = arith.index_cast %scan3A_504 : i32 to index
      %get3A_616 = arith.constant 112 : index
      %get3A_617 = tpu.vector_load %arg11[%get3A_615, %get3A_616] {strides = array<i32>} : memref<128x128xf32, #tpu.memory_space<vmem>>, vector<1x16xf32>,
      %get3A_618 = vector.shape_cast %get3A_617 : vector<1x16xf32> to vector<16xf32>
      %add3A_619 = arith.constant 128 : i32
      %add3A_620 = arith.addi %add3A_619, %scan3A_504 : i32
      %get3A_621 = arith.index_cast %add3A_620 : i32 to index
      %get3A_622 = arith.constant 112 : index
      %get3A_623 = tpu.vector_load %arg7[%get3A_621, %get3A_622] {strides = array<i32>} : memref<256x128xf32, #tpu.memory_space<vmem>>, vector<1x16xf32>,
      %get3A_624 = vector.shape_cast %get3A_623 : vector<1x16xf32> to vector<16xf32>
      %add3A_625 = arith.addf %get3A_618, %get3A_624 : vector<16xf32>
      %swap3A_626 = arith.index_cast %scan3A_504 : i32 to index
      %swap3A_627 = arith.constant 112 : index
      %swap3A_628 = tpu.vector_load %arg11[%swap3A_626, %swap3A_627] {strides = array<i32>} : memref<128x128xf32, #tpu.memory_space<vmem>>, vector<1x16xf32>,
      %swap3A_629 = vector.shape_cast %swap3A_628 : vector<1x16xf32> to vector<16xf32>
      %swap3A_630 = vector.shape_cast %add3A_625 : vector<16xf32> to vector<1x16xf32>
      tpu.vector_store %arg11[%swap3A_626, %swap3A_627], %swap3A_630 {strides = array<i32>} : memref<128x128xf32, #tpu.memory_space<vmem>>, vector<1x16xf32>,
    }
    %scan3A_357 = arith.constant 128 : i32
    %add3A_358 = arith.constant 128 : i32
    %add3A_359 = arith.addi %mul3A_2, %add3A_358 : i32
    %dma_start3A_360 = arith.constant 1 : i32
    %dma_start3A_361 = arith.constant 0 : i32
    %dma_start3A_362 = tpu.memref_slice %arg5[%dma_start3A_360, %add3A_359, %dma_start3A_361] : memref<4x8192x128xf32, #tpu.memory_space<hbm>> -> memref<1x128x128xf32, #tpu.memory_space<hbm>>
    %dma_start3A_363 = tpu.memref_squeeze %dma_start3A_362 : memref<1x128x128xf32, #tpu.memory_space<hbm>> -> memref<128x128xf32, #tpu.memory_space<hbm>>
    %dma_start3A_364 = arith.constant 0 : i32
    %dma_start3A_365 = tpu.memref_slice %arg5[%dma_start3A_360, %add3A_359, %dma_start3A_364] : memref<4x8192x128xf32, #tpu.memory_space<hbm>> -> memref<1x128x128xf32, #tpu.memory_space<hbm>>
    %dma_start3A_366 = tpu.memref_squeeze %dma_start3A_365 : memref<1x128x128xf32, #tpu.memory_space<hbm>> -> memref<128x128xf32, #tpu.memory_space<hbm>>
    tpu.enqueue_dma source(%arg11 : memref<128x128xf32, #tpu.memory_space<vmem>>) target(%dma_start3A_366 : memref<128x128xf32, #tpu.memory_space<hbm>>) target_semaphore(%arg21 : memref<!tpu.dma_semaphore, #tpu.memory_space<semaphore_mem>>)
    %dma_wait3A_367 = arith.constant 1 : i32
    %dma_wait3A_368 = arith.constant 0 : i32
    %dma_wait3A_369 = tpu.memref_slice %arg5[%dma_wait3A_367, %add3A_323, %dma_wait3A_368] : memref<4x8192x128xf32, #tpu.memory_space<hbm>> -> memref<1x128x128xf32, #tpu.memory_space<hbm>>
    %dma_wait3A_370 = tpu.memref_squeeze %dma_wait3A_369 : memref<1x128x128xf32, #tpu.memory_space<hbm>> -> memref<128x128xf32, #tpu.memory_space<hbm>>
    %dma_wait3A_371 = arith.constant 0 : i32
    %dma_wait3A_372 = tpu.memref_slice %arg5[%dma_wait3A_367, %add3A_323, %dma_wait3A_371] : memref<4x8192x128xf32, #tpu.memory_space<hbm>> -> memref<1x128x128xf32, #tpu.memory_space<hbm>>
    %dma_wait3A_373 = tpu.memref_squeeze %dma_wait3A_372 : memref<1x128x128xf32, #tpu.memory_space<hbm>> -> memref<128x128xf32, #tpu.memory_space<hbm>>
    tpu.wait_dma2 semaphore(%arg20 : memref<!tpu.dma_semaphore, #tpu.memory_space<semaphore_mem>>) src(%arg10 : memref<128x128xf32, #tpu.memory_space<vmem>>) dst(%dma_wait3A_373 : memref<128x128xf32, #tpu.memory_space<hbm>>)
    %dma_start3A_374 = arith.constant 7 : i32
    %dma_start3A_375 = arith.constant 0 : i32
    %dma_start3A_376 = tpu.memref_slice %arg6[%dma_start3A_374, %dma_start3A_375] : memref<8x128xi32, #tpu.memory_space<vmem>> -> memref<1x128xi32, #tpu.memory_space<vmem>>
    %dma_start3A_377 = tpu.memref_squeeze %dma_start3A_376 : memref<1x128xi32, #tpu.memory_space<vmem>> -> memref<128xi32, #tpu.memory_space<vmem>>
    %dma_start3A_378 = arith.constant 0 : i32
    %dma_start3A_379 = arith.constant 0 : i32
    %dma_start3A_380 = tpu.memref_slice %arg3[%dma_start3A_378, %dma_start3A_379] : memref<100000x128xf32, #tpu.memory_space<hbm>> -> memref<100000x128xf32, #tpu.memory_space<hbm>>
    tpu.enqueue_indirect_dma source(%dma_start3A_380 : memref<100000x128xf32, #tpu.memory_space<hbm>>) target(%arg10 : memref<128x128xf32, #tpu.memory_space<vmem>>) offsets(%dma_start3A_377 : memref<128xi32, #tpu.memory_space<vmem>>) semaphore(%arg15 : memref<!tpu.dma_semaphore, #tpu.memory_space<semaphore_mem>>)
    %dma_wait3A_381 = arith.constant 4 : i32
    %dma_wait3A_382 = arith.constant 0 : i32
    %dma_wait3A_383 = tpu.memref_slice %arg6[%dma_wait3A_381, %dma_wait3A_382] : memref<8x128xi32, #tpu.memory_space<vmem>> -> memref<1x128xi32, #tpu.memory_space<vmem>>
    %dma_wait3A_384 = tpu.memref_squeeze %dma_wait3A_383 : memref<1x128xi32, #tpu.memory_space<vmem>> -> memref<128xi32, #tpu.memory_space<vmem>>
    %dma_wait3A_385 = arith.constant 0 : i32
    %dma_wait3A_386 = arith.constant 0 : i32
    %dma_wait3A_387 = tpu.memref_slice %arg3[%dma_wait3A_385, %dma_wait3A_386] : memref<100000x128xf32, #tpu.memory_space<hbm>> -> memref<100000x128xf32, #tpu.memory_space<hbm>>
    tpu.wait_indirect_dma semaphore(%arg17 : memref<!tpu.dma_semaphore, #tpu.memory_space<semaphore_mem>>) src(%dma_wait3A_387 : memref<100000x128xf32, #tpu.memory_space<hbm>>) dst(%arg12 : memref<128x128xf32, #tpu.memory_space<vmem>>)
    %scan3A_388 = arith.constant 0 : i32
    %scan3A_389 = arith.constant 0 : i32
    %scan3A_390 = arith.constant 128 : i32
    %scan3A_391 = arith.addi %scan3A_389, %scan3A_390 : i32
    %scan3A_392 = arith.constant 1 : i32
    scf.for %scan3A_504 = %scan3A_389 to %scan3A_391 step %scan3A_392  : i32 {
      %get3A = arith.index_cast %scan3A_504 : i32 to index
      %get3A_505 = arith.constant 0 : index
      %get3A_506 = tpu.vector_load %arg12[%get3A, %get3A_505] {strides = array<i32>} : memref<128x128xf32, #tpu.memory_space<vmem>>, vector<1x16xf32>,
      %get3A_507 = vector.shape_cast %get3A_506 : vector<1x16xf32> to vector<16xf32>
      %add3A_508 = arith.constant 0 : i32
      %add3A_509 = arith.addi %add3A_508, %scan3A_504 : i32
      %get3A_510 = arith.index_cast %add3A_509 : i32 to index
      %get3A_511 = arith.constant 0 : index
      %get3A_512 = tpu.vector_load %arg7[%get3A_510, %get3A_511] {strides = array<i32>} : memref<256x128xf32, #tpu.memory_space<vmem>>, vector<1x16xf32>,
      %get3A_513 = vector.shape_cast %get3A_512 : vector<1x16xf32> to vector<16xf32>
      %add3A_514 = arith.addf %get3A_507, %get3A_513 : vector<16xf32>
      %swap3A = arith.index_cast %scan3A_504 : i32 to index
      %swap3A_515 = arith.constant 0 : index
      %swap3A_516 = tpu.vector_load %arg12[%swap3A, %swap3A_515] {strides = array<i32>} : memref<128x128xf32, #tpu.memory_space<vmem>>, vector<1x16xf32>,
      %swap3A_517 = vector.shape_cast %swap3A_516 : vector<1x16xf32> to vector<16xf32>
      %swap3A_518 = vector.shape_cast %add3A_514 : vector<16xf32> to vector<1x16xf32>
      tpu.vector_store %arg12[%swap3A, %swap3A_515], %swap3A_518 {strides = array<i32>} : memref<128x128xf32, #tpu.memory_space<vmem>>, vector<1x16xf32>,
      %get3A_519 = arith.index_cast %scan3A_504 : i32 to index
      %get3A_520 = arith.constant 16 : index
      %get3A_521 = tpu.vector_load %arg12[%get3A_519, %get3A_520] {strides = array<i32>} : memref<128x128xf32, #tpu.memory_space<vmem>>, vector<1x16xf32>,
      %get3A_522 = vector.shape_cast %get3A_521 : vector<1x16xf32> to vector<16xf32>
      %add3A_523 = arith.constant 0 : i32
      %add3A_524 = arith.addi %add3A_523, %scan3A_504 : i32
      %get3A_525 = arith.index_cast %add3A_524 : i32 to index
      %get3A_526 = arith.constant 16 : index
      %get3A_527 = tpu.vector_load %arg7[%get3A_525, %get3A_526] {strides = array<i32>} : memref<256x128xf32, #tpu.memory_space<vmem>>, vector<1x16xf32>,
      %get3A_528 = vector.shape_cast %get3A_527 : vector<1x16xf32> to vector<16xf32>
      %add3A_529 = arith.addf %get3A_522, %get3A_528 : vector<16xf32>
      %swap3A_530 = arith.index_cast %scan3A_504 : i32 to index
      %swap3A_531 = arith.constant 16 : index
      %swap3A_532 = tpu.vector_load %arg12[%swap3A_530, %swap3A_531] {strides = array<i32>} : memref<128x128xf32, #tpu.memory_space<vmem>>, vector<1x16xf32>,
      %swap3A_533 = vector.shape_cast %swap3A_532 : vector<1x16xf32> to vector<16xf32>
      %swap3A_534 = vector.shape_cast %add3A_529 : vector<16xf32> to vector<1x16xf32>
      tpu.vector_store %arg12[%swap3A_530, %swap3A_531], %swap3A_534 {strides = array<i32>} : memref<128x128xf32, #tpu.memory_space<vmem>>, vector<1x16xf32>,
      %get3A_535 = arith.index_cast %scan3A_504 : i32 to index
      %get3A_536 = arith.constant 32 : index
      %get3A_537 = tpu.vector_load %arg12[%get3A_535, %get3A_536] {strides = array<i32>} : memref<128x128xf32, #tpu.memory_space<vmem>>, vector<1x16xf32>,
      %get3A_538 = vector.shape_cast %get3A_537 : vector<1x16xf32> to vector<16xf32>
      %add3A_539 = arith.constant 0 : i32
      %add3A_540 = arith.addi %add3A_539, %scan3A_504 : i32
      %get3A_541 = arith.index_cast %add3A_540 : i32 to index
      %get3A_542 = arith.constant 32 : index
      %get3A_543 = tpu.vector_load %arg7[%get3A_541, %get3A_542] {strides = array<i32>} : memref<256x128xf32, #tpu.memory_space<vmem>>, vector<1x16xf32>,
      %get3A_544 = vector.shape_cast %get3A_543 : vector<1x16xf32> to vector<16xf32>
      %add3A_545 = arith.addf %get3A_538, %get3A_544 : vector<16xf32>
      %swap3A_546 = arith.index_cast %scan3A_504 : i32 to index
      %swap3A_547 = arith.constant 32 : index
      %swap3A_548 = tpu.vector_load %arg12[%swap3A_546, %swap3A_547] {strides = array<i32>} : memref<128x128xf32, #tpu.memory_space<vmem>>, vector<1x16xf32>,
      %swap3A_549 = vector.shape_cast %swap3A_548 : vector<1x16xf32> to vector<16xf32>
      %swap3A_550 = vector.shape_cast %add3A_545 : vector<16xf32> to vector<1x16xf32>
      tpu.vector_store %arg12[%swap3A_546, %swap3A_547], %swap3A_550 {strides = array<i32>} : memref<128x128xf32, #tpu.memory_space<vmem>>, vector<1x16xf32>,
      %get3A_551 = arith.index_cast %scan3A_504 : i32 to index
      %get3A_552 = arith.constant 48 : index
      %get3A_553 = tpu.vector_load %arg12[%get3A_551, %get3A_552] {strides = array<i32>} : memref<128x128xf32, #tpu.memory_space<vmem>>, vector<1x16xf32>,
      %get3A_554 = vector.shape_cast %get3A_553 : vector<1x16xf32> to vector<16xf32>
      %add3A_555 = arith.constant 0 : i32
      %add3A_556 = arith.addi %add3A_555, %scan3A_504 : i32
      %get3A_557 = arith.index_cast %add3A_556 : i32 to index
      %get3A_558 = arith.constant 48 : index
      %get3A_559 = tpu.vector_load %arg7[%get3A_557, %get3A_558] {strides = array<i32>} : memref<256x128xf32, #tpu.memory_space<vmem>>, vector<1x16xf32>,
      %get3A_560 = vector.shape_cast %get3A_559 : vector<1x16xf32> to vector<16xf32>
      %add3A_561 = arith.addf %get3A_554, %get3A_560 : vector<16xf32>
      %swap3A_562 = arith.index_cast %scan3A_504 : i32 to index
      %swap3A_563 = arith.constant 48 : index
      %swap3A_564 = tpu.vector_load %arg12[%swap3A_562, %swap3A_563] {strides = array<i32>} : memref<128x128xf32, #tpu.memory_space<vmem>>, vector<1x16xf32>,
      %swap3A_565 = vector.shape_cast %swap3A_564 : vector<1x16xf32> to vector<16xf32>
      %swap3A_566 = vector.shape_cast %add3A_561 : vector<16xf32> to vector<1x16xf32>
      tpu.vector_store %arg12[%swap3A_562, %swap3A_563], %swap3A_566 {strides = array<i32>} : memref<128x128xf32, #tpu.memory_space<vmem>>, vector<1x16xf32>,
      %get3A_567 = arith.index_cast %scan3A_504 : i32 to index
      %get3A_568 = arith.constant 64 : index
      %get3A_569 = tpu.vector_load %arg12[%get3A_567, %get3A_568] {strides = array<i32>} : memref<128x128xf32, #tpu.memory_space<vmem>>, vector<1x16xf32>,
      %get3A_570 = vector.shape_cast %get3A_569 : vector<1x16xf32> to vector<16xf32>
      %add3A_571 = arith.constant 0 : i32
      %add3A_572 = arith.addi %add3A_571, %scan3A_504 : i32
      %get3A_573 = arith.index_cast %add3A_572 : i32 to index
      %get3A_574 = arith.constant 64 : index
      %get3A_575 = tpu.vector_load %arg7[%get3A_573, %get3A_574] {strides = array<i32>} : memref<256x128xf32, #tpu.memory_space<vmem>>, vector<1x16xf32>,
      %get3A_576 = vector.shape_cast %get3A_575 : vector<1x16xf32> to vector<16xf32>
      %add3A_577 = arith.addf %get3A_570, %get3A_576 : vector<16xf32>
      %swap3A_578 = arith.index_cast %scan3A_504 : i32 to index
      %swap3A_579 = arith.constant 64 : index
      %swap3A_580 = tpu.vector_load %arg12[%swap3A_578, %swap3A_579] {strides = array<i32>} : memref<128x128xf32, #tpu.memory_space<vmem>>, vector<1x16xf32>,
      %swap3A_581 = vector.shape_cast %swap3A_580 : vector<1x16xf32> to vector<16xf32>
      %swap3A_582 = vector.shape_cast %add3A_577 : vector<16xf32> to vector<1x16xf32>
      tpu.vector_store %arg12[%swap3A_578, %swap3A_579], %swap3A_582 {strides = array<i32>} : memref<128x128xf32, #tpu.memory_space<vmem>>, vector<1x16xf32>,
      %get3A_583 = arith.index_cast %scan3A_504 : i32 to index
      %get3A_584 = arith.constant 80 : index
      %get3A_585 = tpu.vector_load %arg12[%get3A_583, %get3A_584] {strides = array<i32>} : memref<128x128xf32, #tpu.memory_space<vmem>>, vector<1x16xf32>,
      %get3A_586 = vector.shape_cast %get3A_585 : vector<1x16xf32> to vector<16xf32>
      %add3A_587 = arith.constant 0 : i32
      %add3A_588 = arith.addi %add3A_587, %scan3A_504 : i32
      %get3A_589 = arith.index_cast %add3A_588 : i32 to index
      %get3A_590 = arith.constant 80 : index
      %get3A_591 = tpu.vector_load %arg7[%get3A_589, %get3A_590] {strides = array<i32>} : memref<256x128xf32, #tpu.memory_space<vmem>>, vector<1x16xf32>,
      %get3A_592 = vector.shape_cast %get3A_591 : vector<1x16xf32> to vector<16xf32>
      %add3A_593 = arith.addf %get3A_586, %get3A_592 : vector<16xf32>
      %swap3A_594 = arith.index_cast %scan3A_504 : i32 to index
      %swap3A_595 = arith.constant 80 : index
      %swap3A_596 = tpu.vector_load %arg12[%swap3A_594, %swap3A_595] {strides = array<i32>} : memref<128x128xf32, #tpu.memory_space<vmem>>, vector<1x16xf32>,
      %swap3A_597 = vector.shape_cast %swap3A_596 : vector<1x16xf32> to vector<16xf32>
      %swap3A_598 = vector.shape_cast %add3A_593 : vector<16xf32> to vector<1x16xf32>
      tpu.vector_store %arg12[%swap3A_594, %swap3A_595], %swap3A_598 {strides = array<i32>} : memref<128x128xf32, #tpu.memory_space<vmem>>, vector<1x16xf32>,
      %get3A_599 = arith.index_cast %scan3A_504 : i32 to index
      %get3A_600 = arith.constant 96 : index
      %get3A_601 = tpu.vector_load %arg12[%get3A_599, %get3A_600] {strides = array<i32>} : memref<128x128xf32, #tpu.memory_space<vmem>>, vector<1x16xf32>,
      %get3A_602 = vector.shape_cast %get3A_601 : vector<1x16xf32> to vector<16xf32>
      %add3A_603 = arith.constant 0 : i32
      %add3A_604 = arith.addi %add3A_603, %scan3A_504 : i32
      %get3A_605 = arith.index_cast %add3A_604 : i32 to index
      %get3A_606 = arith.constant 96 : index
      %get3A_607 = tpu.vector_load %arg7[%get3A_605, %get3A_606] {strides = array<i32>} : memref<256x128xf32, #tpu.memory_space<vmem>>, vector<1x16xf32>,
      %get3A_608 = vector.shape_cast %get3A_607 : vector<1x16xf32> to vector<16xf32>
      %add3A_609 = arith.addf %get3A_602, %get3A_608 : vector<16xf32>
      %swap3A_610 = arith.index_cast %scan3A_504 : i32 to index
      %swap3A_611 = arith.constant 96 : index
      %swap3A_612 = tpu.vector_load %arg12[%swap3A_610, %swap3A_611] {strides = array<i32>} : memref<128x128xf32, #tpu.memory_space<vmem>>, vector<1x16xf32>,
      %swap3A_613 = vector.shape_cast %swap3A_612 : vector<1x16xf32> to vector<16xf32>
      %swap3A_614 = vector.shape_cast %add3A_609 : vector<16xf32> to vector<1x16xf32>
      tpu.vector_store %arg12[%swap3A_610, %swap3A_611], %swap3A_614 {strides = array<i32>} : memref<128x128xf32, #tpu.memory_space<vmem>>, vector<1x16xf32>,
      %get3A_615 = arith.index_cast %scan3A_504 : i32 to index
      %get3A_616 = arith.constant 112 : index
      %get3A_617 = tpu.vector_load %arg12[%get3A_615, %get3A_616] {strides = array<i32>} : memref<128x128xf32, #tpu.memory_space<vmem>>, vector<1x16xf32>,
      %get3A_618 = vector.shape_cast %get3A_617 : vector<1x16xf32> to vector<16xf32>
      %add3A_619 = arith.constant 0 : i32
      %add3A_620 = arith.addi %add3A_619, %scan3A_504 : i32
      %get3A_621 = arith.index_cast %add3A_620 : i32 to index
      %get3A_622 = arith.constant 112 : index
      %get3A_623 = tpu.vector_load %arg7[%get3A_621, %get3A_622] {strides = array<i32>} : memref<256x128xf32, #tpu.memory_space<vmem>>, vector<1x16xf32>,
      %get3A_624 = vector.shape_cast %get3A_623 : vector<1x16xf32> to vector<16xf32>
      %add3A_625 = arith.addf %get3A_618, %get3A_624 : vector<16xf32>
      %swap3A_626 = arith.index_cast %scan3A_504 : i32 to index
      %swap3A_627 = arith.constant 112 : index
      %swap3A_628 = tpu.vector_load %arg12[%swap3A_626, %swap3A_627] {strides = array<i32>} : memref<128x128xf32, #tpu.memory_space<vmem>>, vector<1x16xf32>,
      %swap3A_629 = vector.shape_cast %swap3A_628 : vector<1x16xf32> to vector<16xf32>
      %swap3A_630 = vector.shape_cast %add3A_625 : vector<16xf32> to vector<1x16xf32>
      tpu.vector_store %arg12[%swap3A_626, %swap3A_627], %swap3A_630 {strides = array<i32>} : memref<128x128xf32, #tpu.memory_space<vmem>>, vector<1x16xf32>,
    }
    %scan3A_393 = arith.constant 128 : i32
    %add3A_394 = arith.constant 0 : i32
    %add3A_395 = arith.addi %mul3A_2, %add3A_394 : i32
    %dma_start3A_396 = arith.constant 2 : i32
    %dma_start3A_397 = arith.constant 0 : i32
    %dma_start3A_398 = tpu.memref_slice %arg5[%dma_start3A_396, %add3A_395, %dma_start3A_397] : memref<4x8192x128xf32, #tpu.memory_space<hbm>> -> memref<1x128x128xf32, #tpu.memory_space<hbm>>
    %dma_start3A_399 = tpu.memref_squeeze %dma_start3A_398 : memref<1x128x128xf32, #tpu.memory_space<hbm>> -> memref<128x128xf32, #tpu.memory_space<hbm>>
    %dma_start3A_400 = arith.constant 0 : i32
    %dma_start3A_401 = tpu.memref_slice %arg5[%dma_start3A_396, %add3A_395, %dma_start3A_400] : memref<4x8192x128xf32, #tpu.memory_space<hbm>> -> memref<1x128x128xf32, #tpu.memory_space<hbm>>
    %dma_start3A_402 = tpu.memref_squeeze %dma_start3A_401 : memref<1x128x128xf32, #tpu.memory_space<hbm>> -> memref<128x128xf32, #tpu.memory_space<hbm>>
    tpu.enqueue_dma source(%arg12 : memref<128x128xf32, #tpu.memory_space<vmem>>) target(%dma_start3A_402 : memref<128x128xf32, #tpu.memory_space<hbm>>) target_semaphore(%arg22 : memref<!tpu.dma_semaphore, #tpu.memory_space<semaphore_mem>>)
    %dma_wait3A_403 = arith.constant 5 : i32
    %dma_wait3A_404 = arith.constant 0 : i32
    %dma_wait3A_405 = tpu.memref_slice %arg6[%dma_wait3A_403, %dma_wait3A_404] : memref<8x128xi32, #tpu.memory_space<vmem>> -> memref<1x128xi32, #tpu.memory_space<vmem>>
    %dma_wait3A_406 = tpu.memref_squeeze %dma_wait3A_405 : memref<1x128xi32, #tpu.memory_space<vmem>> -> memref<128xi32, #tpu.memory_space<vmem>>
    %dma_wait3A_407 = arith.constant 0 : i32
    %dma_wait3A_408 = arith.constant 0 : i32
    %dma_wait3A_409 = tpu.memref_slice %arg3[%dma_wait3A_407, %dma_wait3A_408] : memref<100000x128xf32, #tpu.memory_space<hbm>> -> memref<100000x128xf32, #tpu.memory_space<hbm>>
    tpu.wait_indirect_dma semaphore(%arg13 : memref<!tpu.dma_semaphore, #tpu.memory_space<semaphore_mem>>) src(%dma_wait3A_409 : memref<100000x128xf32, #tpu.memory_space<hbm>>) dst(%arg8 : memref<128x128xf32, #tpu.memory_space<vmem>>)
    %scan3A_410 = arith.constant 0 : i32
    %scan3A_411 = arith.constant 0 : i32
    %scan3A_412 = arith.constant 128 : i32
    %scan3A_413 = arith.addi %scan3A_411, %scan3A_412 : i32
    %scan3A_414 = arith.constant 1 : i32
    scf.for %scan3A_504 = %scan3A_411 to %scan3A_413 step %scan3A_414  : i32 {
      %get3A = arith.index_cast %scan3A_504 : i32 to index
      %get3A_505 = arith.constant 0 : index
      %get3A_506 = tpu.vector_load %arg8[%get3A, %get3A_505] {strides = array<i32>} : memref<128x128xf32, #tpu.memory_space<vmem>>, vector<1x16xf32>,
      %get3A_507 = vector.shape_cast %get3A_506 : vector<1x16xf32> to vector<16xf32>
      %add3A_508 = arith.constant 128 : i32
      %add3A_509 = arith.addi %add3A_508, %scan3A_504 : i32
      %get3A_510 = arith.index_cast %add3A_509 : i32 to index
      %get3A_511 = arith.constant 0 : index
      %get3A_512 = tpu.vector_load %arg7[%get3A_510, %get3A_511] {strides = array<i32>} : memref<256x128xf32, #tpu.memory_space<vmem>>, vector<1x16xf32>,
      %get3A_513 = vector.shape_cast %get3A_512 : vector<1x16xf32> to vector<16xf32>
      %add3A_514 = arith.addf %get3A_507, %get3A_513 : vector<16xf32>
      %swap3A = arith.index_cast %scan3A_504 : i32 to index
      %swap3A_515 = arith.constant 0 : index
      %swap3A_516 = tpu.vector_load %arg8[%swap3A, %swap3A_515] {strides = array<i32>} : memref<128x128xf32, #tpu.memory_space<vmem>>, vector<1x16xf32>,
      %swap3A_517 = vector.shape_cast %swap3A_516 : vector<1x16xf32> to vector<16xf32>
      %swap3A_518 = vector.shape_cast %add3A_514 : vector<16xf32> to vector<1x16xf32>
      tpu.vector_store %arg8[%swap3A, %swap3A_515], %swap3A_518 {strides = array<i32>} : memref<128x128xf32, #tpu.memory_space<vmem>>, vector<1x16xf32>,
      %get3A_519 = arith.index_cast %scan3A_504 : i32 to index
      %get3A_520 = arith.constant 16 : index
      %get3A_521 = tpu.vector_load %arg8[%get3A_519, %get3A_520] {strides = array<i32>} : memref<128x128xf32, #tpu.memory_space<vmem>>, vector<1x16xf32>,
      %get3A_522 = vector.shape_cast %get3A_521 : vector<1x16xf32> to vector<16xf32>
      %add3A_523 = arith.constant 128 : i32
      %add3A_524 = arith.addi %add3A_523, %scan3A_504 : i32
      %get3A_525 = arith.index_cast %add3A_524 : i32 to index
      %get3A_526 = arith.constant 16 : index
      %get3A_527 = tpu.vector_load %arg7[%get3A_525, %get3A_526] {strides = array<i32>} : memref<256x128xf32, #tpu.memory_space<vmem>>, vector<1x16xf32>,
      %get3A_528 = vector.shape_cast %get3A_527 : vector<1x16xf32> to vector<16xf32>
      %add3A_529 = arith.addf %get3A_522, %get3A_528 : vector<16xf32>
      %swap3A_530 = arith.index_cast %scan3A_504 : i32 to index
      %swap3A_531 = arith.constant 16 : index
      %swap3A_532 = tpu.vector_load %arg8[%swap3A_530, %swap3A_531] {strides = array<i32>} : memref<128x128xf32, #tpu.memory_space<vmem>>, vector<1x16xf32>,
      %swap3A_533 = vector.shape_cast %swap3A_532 : vector<1x16xf32> to vector<16xf32>
      %swap3A_534 = vector.shape_cast %add3A_529 : vector<16xf32> to vector<1x16xf32>
      tpu.vector_store %arg8[%swap3A_530, %swap3A_531], %swap3A_534 {strides = array<i32>} : memref<128x128xf32, #tpu.memory_space<vmem>>, vector<1x16xf32>,
      %get3A_535 = arith.index_cast %scan3A_504 : i32 to index
      %get3A_536 = arith.constant 32 : index
      %get3A_537 = tpu.vector_load %arg8[%get3A_535, %get3A_536] {strides = array<i32>} : memref<128x128xf32, #tpu.memory_space<vmem>>, vector<1x16xf32>,
      %get3A_538 = vector.shape_cast %get3A_537 : vector<1x16xf32> to vector<16xf32>
      %add3A_539 = arith.constant 128 : i32
      %add3A_540 = arith.addi %add3A_539, %scan3A_504 : i32
      %get3A_541 = arith.index_cast %add3A_540 : i32 to index
      %get3A_542 = arith.constant 32 : index
      %get3A_543 = tpu.vector_load %arg7[%get3A_541, %get3A_542] {strides = array<i32>} : memref<256x128xf32, #tpu.memory_space<vmem>>, vector<1x16xf32>,
      %get3A_544 = vector.shape_cast %get3A_543 : vector<1x16xf32> to vector<16xf32>
      %add3A_545 = arith.addf %get3A_538, %get3A_544 : vector<16xf32>
      %swap3A_546 = arith.index_cast %scan3A_504 : i32 to index
      %swap3A_547 = arith.constant 32 : index
      %swap3A_548 = tpu.vector_load %arg8[%swap3A_546, %swap3A_547] {strides = array<i32>} : memref<128x128xf32, #tpu.memory_space<vmem>>, vector<1x16xf32>,
      %swap3A_549 = vector.shape_cast %swap3A_548 : vector<1x16xf32> to vector<16xf32>
      %swap3A_550 = vector.shape_cast %add3A_545 : vector<16xf32> to vector<1x16xf32>
      tpu.vector_store %arg8[%swap3A_546, %swap3A_547], %swap3A_550 {strides = array<i32>} : memref<128x128xf32, #tpu.memory_space<vmem>>, vector<1x16xf32>,
      %get3A_551 = arith.index_cast %scan3A_504 : i32 to index
      %get3A_552 = arith.constant 48 : index
      %get3A_553 = tpu.vector_load %arg8[%get3A_551, %get3A_552] {strides = array<i32>} : memref<128x128xf32, #tpu.memory_space<vmem>>, vector<1x16xf32>,
      %get3A_554 = vector.shape_cast %get3A_553 : vector<1x16xf32> to vector<16xf32>
      %add3A_555 = arith.constant 128 : i32
      %add3A_556 = arith.addi %add3A_555, %scan3A_504 : i32
      %get3A_557 = arith.index_cast %add3A_556 : i32 to index
      %get3A_558 = arith.constant 48 : index
      %get3A_559 = tpu.vector_load %arg7[%get3A_557, %get3A_558] {strides = array<i32>} : memref<256x128xf32, #tpu.memory_space<vmem>>, vector<1x16xf32>,
      %get3A_560 = vector.shape_cast %get3A_559 : vector<1x16xf32> to vector<16xf32>
      %add3A_561 = arith.addf %get3A_554, %get3A_560 : vector<16xf32>
      %swap3A_562 = arith.index_cast %scan3A_504 : i32 to index
      %swap3A_563 = arith.constant 48 : index
      %swap3A_564 = tpu.vector_load %arg8[%swap3A_562, %swap3A_563] {strides = array<i32>} : memref<128x128xf32, #tpu.memory_space<vmem>>, vector<1x16xf32>,
      %swap3A_565 = vector.shape_cast %swap3A_564 : vector<1x16xf32> to vector<16xf32>
      %swap3A_566 = vector.shape_cast %add3A_561 : vector<16xf32> to vector<1x16xf32>
      tpu.vector_store %arg8[%swap3A_562, %swap3A_563], %swap3A_566 {strides = array<i32>} : memref<128x128xf32, #tpu.memory_space<vmem>>, vector<1x16xf32>,
      %get3A_567 = arith.index_cast %scan3A_504 : i32 to index
      %get3A_568 = arith.constant 64 : index
      %get3A_569 = tpu.vector_load %arg8[%get3A_567, %get3A_568] {strides = array<i32>} : memref<128x128xf32, #tpu.memory_space<vmem>>, vector<1x16xf32>,
      %get3A_570 = vector.shape_cast %get3A_569 : vector<1x16xf32> to vector<16xf32>
      %add3A_571 = arith.constant 128 : i32
      %add3A_572 = arith.addi %add3A_571, %scan3A_504 : i32
      %get3A_573 = arith.index_cast %add3A_572 : i32 to index
      %get3A_574 = arith.constant 64 : index
      %get3A_575 = tpu.vector_load %arg7[%get3A_573, %get3A_574] {strides = array<i32>} : memref<256x128xf32, #tpu.memory_space<vmem>>, vector<1x16xf32>,
      %get3A_576 = vector.shape_cast %get3A_575 : vector<1x16xf32> to vector<16xf32>
      %add3A_577 = arith.addf %get3A_570, %get3A_576 : vector<16xf32>
      %swap3A_578 = arith.index_cast %scan3A_504 : i32 to index
      %swap3A_579 = arith.constant 64 : index
      %swap3A_580 = tpu.vector_load %arg8[%swap3A_578, %swap3A_579] {strides = array<i32>} : memref<128x128xf32, #tpu.memory_space<vmem>>, vector<1x16xf32>,
      %swap3A_581 = vector.shape_cast %swap3A_580 : vector<1x16xf32> to vector<16xf32>
      %swap3A_582 = vector.shape_cast %add3A_577 : vector<16xf32> to vector<1x16xf32>
      tpu.vector_store %arg8[%swap3A_578, %swap3A_579], %swap3A_582 {strides = array<i32>} : memref<128x128xf32, #tpu.memory_space<vmem>>, vector<1x16xf32>,
      %get3A_583 = arith.index_cast %scan3A_504 : i32 to index
      %get3A_584 = arith.constant 80 : index
      %get3A_585 = tpu.vector_load %arg8[%get3A_583, %get3A_584] {strides = array<i32>} : memref<128x128xf32, #tpu.memory_space<vmem>>, vector<1x16xf32>,
      %get3A_586 = vector.shape_cast %get3A_585 : vector<1x16xf32> to vector<16xf32>
      %add3A_587 = arith.constant 128 : i32
      %add3A_588 = arith.addi %add3A_587, %scan3A_504 : i32
      %get3A_589 = arith.index_cast %add3A_588 : i32 to index
      %get3A_590 = arith.constant 80 : index
      %get3A_591 = tpu.vector_load %arg7[%get3A_589, %get3A_590] {strides = array<i32>} : memref<256x128xf32, #tpu.memory_space<vmem>>, vector<1x16xf32>,
      %get3A_592 = vector.shape_cast %get3A_591 : vector<1x16xf32> to vector<16xf32>
      %add3A_593 = arith.addf %get3A_586, %get3A_592 : vector<16xf32>
      %swap3A_594 = arith.index_cast %scan3A_504 : i32 to index
      %swap3A_595 = arith.constant 80 : index
      %swap3A_596 = tpu.vector_load %arg8[%swap3A_594, %swap3A_595] {strides = array<i32>} : memref<128x128xf32, #tpu.memory_space<vmem>>, vector<1x16xf32>,
      %swap3A_597 = vector.shape_cast %swap3A_596 : vector<1x16xf32> to vector<16xf32>
      %swap3A_598 = vector.shape_cast %add3A_593 : vector<16xf32> to vector<1x16xf32>
      tpu.vector_store %arg8[%swap3A_594, %swap3A_595], %swap3A_598 {strides = array<i32>} : memref<128x128xf32, #tpu.memory_space<vmem>>, vector<1x16xf32>,
      %get3A_599 = arith.index_cast %scan3A_504 : i32 to index
      %get3A_600 = arith.constant 96 : index
      %get3A_601 = tpu.vector_load %arg8[%get3A_599, %get3A_600] {strides = array<i32>} : memref<128x128xf32, #tpu.memory_space<vmem>>, vector<1x16xf32>,
      %get3A_602 = vector.shape_cast %get3A_601 : vector<1x16xf32> to vector<16xf32>
      %add3A_603 = arith.constant 128 : i32
      %add3A_604 = arith.addi %add3A_603, %scan3A_504 : i32
      %get3A_605 = arith.index_cast %add3A_604 : i32 to index
      %get3A_606 = arith.constant 96 : index
      %get3A_607 = tpu.vector_load %arg7[%get3A_605, %get3A_606] {strides = array<i32>} : memref<256x128xf32, #tpu.memory_space<vmem>>, vector<1x16xf32>,
      %get3A_608 = vector.shape_cast %get3A_607 : vector<1x16xf32> to vector<16xf32>
      %add3A_609 = arith.addf %get3A_602, %get3A_608 : vector<16xf32>
      %swap3A_610 = arith.index_cast %scan3A_504 : i32 to index
      %swap3A_611 = arith.constant 96 : index
      %swap3A_612 = tpu.vector_load %arg8[%swap3A_610, %swap3A_611] {strides = array<i32>} : memref<128x128xf32, #tpu.memory_space<vmem>>, vector<1x16xf32>,
      %swap3A_613 = vector.shape_cast %swap3A_612 : vector<1x16xf32> to vector<16xf32>
      %swap3A_614 = vector.shape_cast %add3A_609 : vector<16xf32> to vector<1x16xf32>
      tpu.vector_store %arg8[%swap3A_610, %swap3A_611], %swap3A_614 {strides = array<i32>} : memref<128x128xf32, #tpu.memory_space<vmem>>, vector<1x16xf32>,
      %get3A_615 = arith.index_cast %scan3A_504 : i32 to index
      %get3A_616 = arith.constant 112 : index
      %get3A_617 = tpu.vector_load %arg8[%get3A_615, %get3A_616] {strides = array<i32>} : memref<128x128xf32, #tpu.memory_space<vmem>>, vector<1x16xf32>,
      %get3A_618 = vector.shape_cast %get3A_617 : vector<1x16xf32> to vector<16xf32>
      %add3A_619 = arith.constant 128 : i32
      %add3A_620 = arith.addi %add3A_619, %scan3A_504 : i32
      %get3A_621 = arith.index_cast %add3A_620 : i32 to index
      %get3A_622 = arith.constant 112 : index
      %get3A_623 = tpu.vector_load %arg7[%get3A_621, %get3A_622] {strides = array<i32>} : memref<256x128xf32, #tpu.memory_space<vmem>>, vector<1x16xf32>,
      %get3A_624 = vector.shape_cast %get3A_623 : vector<1x16xf32> to vector<16xf32>
      %add3A_625 = arith.addf %get3A_618, %get3A_624 : vector<16xf32>
      %swap3A_626 = arith.index_cast %scan3A_504 : i32 to index
      %swap3A_627 = arith.constant 112 : index
      %swap3A_628 = tpu.vector_load %arg8[%swap3A_626, %swap3A_627] {strides = array<i32>} : memref<128x128xf32, #tpu.memory_space<vmem>>, vector<1x16xf32>,
      %swap3A_629 = vector.shape_cast %swap3A_628 : vector<1x16xf32> to vector<16xf32>
      %swap3A_630 = vector.shape_cast %add3A_625 : vector<16xf32> to vector<1x16xf32>
      tpu.vector_store %arg8[%swap3A_626, %swap3A_627], %swap3A_630 {strides = array<i32>} : memref<128x128xf32, #tpu.memory_space<vmem>>, vector<1x16xf32>,
    }
    %scan3A_415 = arith.constant 128 : i32
    %add3A_416 = arith.constant 128 : i32
    %add3A_417 = arith.addi %mul3A_2, %add3A_416 : i32
    %dma_start3A_418 = arith.constant 2 : i32
    %dma_start3A_419 = arith.constant 0 : i32
    %dma_start3A_420 = tpu.memref_slice %arg5[%dma_start3A_418, %add3A_417, %dma_start3A_419] : memref<4x8192x128xf32, #tpu.memory_space<hbm>> -> memref<1x128x128xf32, #tpu.memory_space<hbm>>
    %dma_start3A_421 = tpu.memref_squeeze %dma_start3A_420 : memref<1x128x128xf32, #tpu.memory_space<hbm>> -> memref<128x128xf32, #tpu.memory_space<hbm>>
    %dma_start3A_422 = arith.constant 0 : i32
    %dma_start3A_423 = tpu.memref_slice %arg5[%dma_start3A_418, %add3A_417, %dma_start3A_422] : memref<4x8192x128xf32, #tpu.memory_space<hbm>> -> memref<1x128x128xf32, #tpu.memory_space<hbm>>
    %dma_start3A_424 = tpu.memref_squeeze %dma_start3A_423 : memref<1x128x128xf32, #tpu.memory_space<hbm>> -> memref<128x128xf32, #tpu.memory_space<hbm>>
    tpu.enqueue_dma source(%arg8 : memref<128x128xf32, #tpu.memory_space<vmem>>) target(%dma_start3A_424 : memref<128x128xf32, #tpu.memory_space<hbm>>) target_semaphore(%arg18 : memref<!tpu.dma_semaphore, #tpu.memory_space<semaphore_mem>>)
    %dma_wait3A_425 = arith.constant 6 : i32
    %dma_wait3A_426 = arith.constant 0 : i32
    %dma_wait3A_427 = tpu.memref_slice %arg6[%dma_wait3A_425, %dma_wait3A_426] : memref<8x128xi32, #tpu.memory_space<vmem>> -> memref<1x128xi32, #tpu.memory_space<vmem>>
    %dma_wait3A_428 = tpu.memref_squeeze %dma_wait3A_427 : memref<1x128xi32, #tpu.memory_space<vmem>> -> memref<128xi32, #tpu.memory_space<vmem>>
    %dma_wait3A_429 = arith.constant 0 : i32
    %dma_wait3A_430 = arith.constant 0 : i32
    %dma_wait3A_431 = tpu.memref_slice %arg3[%dma_wait3A_429, %dma_wait3A_430] : memref<100000x128xf32, #tpu.memory_space<hbm>> -> memref<100000x128xf32, #tpu.memory_space<hbm>>
    tpu.wait_indirect_dma semaphore(%arg14 : memref<!tpu.dma_semaphore, #tpu.memory_space<semaphore_mem>>) src(%dma_wait3A_431 : memref<100000x128xf32, #tpu.memory_space<hbm>>) dst(%arg9 : memref<128x128xf32, #tpu.memory_space<vmem>>)
    %scan3A_432 = arith.constant 0 : i32
    %scan3A_433 = arith.constant 0 : i32
    %scan3A_434 = arith.constant 128 : i32
    %scan3A_435 = arith.addi %scan3A_433, %scan3A_434 : i32
    %scan3A_436 = arith.constant 1 : i32
    scf.for %scan3A_504 = %scan3A_433 to %scan3A_435 step %scan3A_436  : i32 {
      %get3A = arith.index_cast %scan3A_504 : i32 to index
      %get3A_505 = arith.constant 0 : index
      %get3A_506 = tpu.vector_load %arg9[%get3A, %get3A_505] {strides = array<i32>} : memref<128x128xf32, #tpu.memory_space<vmem>>, vector<1x16xf32>,
      %get3A_507 = vector.shape_cast %get3A_506 : vector<1x16xf32> to vector<16xf32>
      %add3A_508 = arith.constant 0 : i32
      %add3A_509 = arith.addi %add3A_508, %scan3A_504 : i32
      %get3A_510 = arith.index_cast %add3A_509 : i32 to index
      %get3A_511 = arith.constant 0 : index
      %get3A_512 = tpu.vector_load %arg7[%get3A_510, %get3A_511] {strides = array<i32>} : memref<256x128xf32, #tpu.memory_space<vmem>>, vector<1x16xf32>,
      %get3A_513 = vector.shape_cast %get3A_512 : vector<1x16xf32> to vector<16xf32>
      %add3A_514 = arith.addf %get3A_507, %get3A_513 : vector<16xf32>
      %swap3A = arith.index_cast %scan3A_504 : i32 to index
      %swap3A_515 = arith.constant 0 : index
      %swap3A_516 = tpu.vector_load %arg9[%swap3A, %swap3A_515] {strides = array<i32>} : memref<128x128xf32, #tpu.memory_space<vmem>>, vector<1x16xf32>,
      %swap3A_517 = vector.shape_cast %swap3A_516 : vector<1x16xf32> to vector<16xf32>
      %swap3A_518 = vector.shape_cast %add3A_514 : vector<16xf32> to vector<1x16xf32>
      tpu.vector_store %arg9[%swap3A, %swap3A_515], %swap3A_518 {strides = array<i32>} : memref<128x128xf32, #tpu.memory_space<vmem>>, vector<1x16xf32>,
      %get3A_519 = arith.index_cast %scan3A_504 : i32 to index
      %get3A_520 = arith.constant 16 : index
      %get3A_521 = tpu.vector_load %arg9[%get3A_519, %get3A_520] {strides = array<i32>} : memref<128x128xf32, #tpu.memory_space<vmem>>, vector<1x16xf32>,
      %get3A_522 = vector.shape_cast %get3A_521 : vector<1x16xf32> to vector<16xf32>
      %add3A_523 = arith.constant 0 : i32
      %add3A_524 = arith.addi %add3A_523, %scan3A_504 : i32
      %get3A_525 = arith.index_cast %add3A_524 : i32 to index
      %get3A_526 = arith.constant 16 : index
      %get3A_527 = tpu.vector_load %arg7[%get3A_525, %get3A_526] {strides = array<i32>} : memref<256x128xf32, #tpu.memory_space<vmem>>, vector<1x16xf32>,
      %get3A_528 = vector.shape_cast %get3A_527 : vector<1x16xf32> to vector<16xf32>
      %add3A_529 = arith.addf %get3A_522, %get3A_528 : vector<16xf32>
      %swap3A_530 = arith.index_cast %scan3A_504 : i32 to index
      %swap3A_531 = arith.constant 16 : index
      %swap3A_532 = tpu.vector_load %arg9[%swap3A_530, %swap3A_531] {strides = array<i32>} : memref<128x128xf32, #tpu.memory_space<vmem>>, vector<1x16xf32>,
      %swap3A_533 = vector.shape_cast %swap3A_532 : vector<1x16xf32> to vector<16xf32>
      %swap3A_534 = vector.shape_cast %add3A_529 : vector<16xf32> to vector<1x16xf32>
      tpu.vector_store %arg9[%swap3A_530, %swap3A_531], %swap3A_534 {strides = array<i32>} : memref<128x128xf32, #tpu.memory_space<vmem>>, vector<1x16xf32>,
      %get3A_535 = arith.index_cast %scan3A_504 : i32 to index
      %get3A_536 = arith.constant 32 : index
      %get3A_537 = tpu.vector_load %arg9[%get3A_535, %get3A_536] {strides = array<i32>} : memref<128x128xf32, #tpu.memory_space<vmem>>, vector<1x16xf32>,
      %get3A_538 = vector.shape_cast %get3A_537 : vector<1x16xf32> to vector<16xf32>
      %add3A_539 = arith.constant 0 : i32
      %add3A_540 = arith.addi %add3A_539, %scan3A_504 : i32
      %get3A_541 = arith.index_cast %add3A_540 : i32 to index
      %get3A_542 = arith.constant 32 : index
      %get3A_543 = tpu.vector_load %arg7[%get3A_541, %get3A_542] {strides = array<i32>} : memref<256x128xf32, #tpu.memory_space<vmem>>, vector<1x16xf32>,
      %get3A_544 = vector.shape_cast %get3A_543 : vector<1x16xf32> to vector<16xf32>
      %add3A_545 = arith.addf %get3A_538, %get3A_544 : vector<16xf32>
      %swap3A_546 = arith.index_cast %scan3A_504 : i32 to index
      %swap3A_547 = arith.constant 32 : index
      %swap3A_548 = tpu.vector_load %arg9[%swap3A_546, %swap3A_547] {strides = array<i32>} : memref<128x128xf32, #tpu.memory_space<vmem>>, vector<1x16xf32>,
      %swap3A_549 = vector.shape_cast %swap3A_548 : vector<1x16xf32> to vector<16xf32>
      %swap3A_550 = vector.shape_cast %add3A_545 : vector<16xf32> to vector<1x16xf32>
      tpu.vector_store %arg9[%swap3A_546, %swap3A_547], %swap3A_550 {strides = array<i32>} : memref<128x128xf32, #tpu.memory_space<vmem>>, vector<1x16xf32>,
      %get3A_551 = arith.index_cast %scan3A_504 : i32 to index
      %get3A_552 = arith.constant 48 : index
      %get3A_553 = tpu.vector_load %arg9[%get3A_551, %get3A_552] {strides = array<i32>} : memref<128x128xf32, #tpu.memory_space<vmem>>, vector<1x16xf32>,
      %get3A_554 = vector.shape_cast %get3A_553 : vector<1x16xf32> to vector<16xf32>
      %add3A_555 = arith.constant 0 : i32
      %add3A_556 = arith.addi %add3A_555, %scan3A_504 : i32
      %get3A_557 = arith.index_cast %add3A_556 : i32 to index
      %get3A_558 = arith.constant 48 : index
      %get3A_559 = tpu.vector_load %arg7[%get3A_557, %get3A_558] {strides = array<i32>} : memref<256x128xf32, #tpu.memory_space<vmem>>, vector<1x16xf32>,
      %get3A_560 = vector.shape_cast %get3A_559 : vector<1x16xf32> to vector<16xf32>
      %add3A_561 = arith.addf %get3A_554, %get3A_560 : vector<16xf32>
      %swap3A_562 = arith.index_cast %scan3A_504 : i32 to index
      %swap3A_563 = arith.constant 48 : index
      %swap3A_564 = tpu.vector_load %arg9[%swap3A_562, %swap3A_563] {strides = array<i32>} : memref<128x128xf32, #tpu.memory_space<vmem>>, vector<1x16xf32>,
      %swap3A_565 = vector.shape_cast %swap3A_564 : vector<1x16xf32> to vector<16xf32>
      %swap3A_566 = vector.shape_cast %add3A_561 : vector<16xf32> to vector<1x16xf32>
      tpu.vector_store %arg9[%swap3A_562, %swap3A_563], %swap3A_566 {strides = array<i32>} : memref<128x128xf32, #tpu.memory_space<vmem>>, vector<1x16xf32>,
      %get3A_567 = arith.index_cast %scan3A_504 : i32 to index
      %get3A_568 = arith.constant 64 : index
      %get3A_569 = tpu.vector_load %arg9[%get3A_567, %get3A_568] {strides = array<i32>} : memref<128x128xf32, #tpu.memory_space<vmem>>, vector<1x16xf32>,
      %get3A_570 = vector.shape_cast %get3A_569 : vector<1x16xf32> to vector<16xf32>
      %add3A_571 = arith.constant 0 : i32
      %add3A_572 = arith.addi %add3A_571, %scan3A_504 : i32
      %get3A_573 = arith.index_cast %add3A_572 : i32 to index
      %get3A_574 = arith.constant 64 : index
      %get3A_575 = tpu.vector_load %arg7[%get3A_573, %get3A_574] {strides = array<i32>} : memref<256x128xf32, #tpu.memory_space<vmem>>, vector<1x16xf32>,
      %get3A_576 = vector.shape_cast %get3A_575 : vector<1x16xf32> to vector<16xf32>
      %add3A_577 = arith.addf %get3A_570, %get3A_576 : vector<16xf32>
      %swap3A_578 = arith.index_cast %scan3A_504 : i32 to index
      %swap3A_579 = arith.constant 64 : index
      %swap3A_580 = tpu.vector_load %arg9[%swap3A_578, %swap3A_579] {strides = array<i32>} : memref<128x128xf32, #tpu.memory_space<vmem>>, vector<1x16xf32>,
      %swap3A_581 = vector.shape_cast %swap3A_580 : vector<1x16xf32> to vector<16xf32>
      %swap3A_582 = vector.shape_cast %add3A_577 : vector<16xf32> to vector<1x16xf32>
      tpu.vector_store %arg9[%swap3A_578, %swap3A_579], %swap3A_582 {strides = array<i32>} : memref<128x128xf32, #tpu.memory_space<vmem>>, vector<1x16xf32>,
      %get3A_583 = arith.index_cast %scan3A_504 : i32 to index
      %get3A_584 = arith.constant 80 : index
      %get3A_585 = tpu.vector_load %arg9[%get3A_583, %get3A_584] {strides = array<i32>} : memref<128x128xf32, #tpu.memory_space<vmem>>, vector<1x16xf32>,
      %get3A_586 = vector.shape_cast %get3A_585 : vector<1x16xf32> to vector<16xf32>
      %add3A_587 = arith.constant 0 : i32
      %add3A_588 = arith.addi %add3A_587, %scan3A_504 : i32
      %get3A_589 = arith.index_cast %add3A_588 : i32 to index
      %get3A_590 = arith.constant 80 : index
      %get3A_591 = tpu.vector_load %arg7[%get3A_589, %get3A_590] {strides = array<i32>} : memref<256x128xf32, #tpu.memory_space<vmem>>, vector<1x16xf32>,
      %get3A_592 = vector.shape_cast %get3A_591 : vector<1x16xf32> to vector<16xf32>
      %add3A_593 = arith.addf %get3A_586, %get3A_592 : vector<16xf32>
      %swap3A_594 = arith.index_cast %scan3A_504 : i32 to index
      %swap3A_595 = arith.constant 80 : index
      %swap3A_596 = tpu.vector_load %arg9[%swap3A_594, %swap3A_595] {strides = array<i32>} : memref<128x128xf32, #tpu.memory_space<vmem>>, vector<1x16xf32>,
      %swap3A_597 = vector.shape_cast %swap3A_596 : vector<1x16xf32> to vector<16xf32>
      %swap3A_598 = vector.shape_cast %add3A_593 : vector<16xf32> to vector<1x16xf32>
      tpu.vector_store %arg9[%swap3A_594, %swap3A_595], %swap3A_598 {strides = array<i32>} : memref<128x128xf32, #tpu.memory_space<vmem>>, vector<1x16xf32>,
      %get3A_599 = arith.index_cast %scan3A_504 : i32 to index
      %get3A_600 = arith.constant 96 : index
      %get3A_601 = tpu.vector_load %arg9[%get3A_599, %get3A_600] {strides = array<i32>} : memref<128x128xf32, #tpu.memory_space<vmem>>, vector<1x16xf32>,
      %get3A_602 = vector.shape_cast %get3A_601 : vector<1x16xf32> to vector<16xf32>
      %add3A_603 = arith.constant 0 : i32
      %add3A_604 = arith.addi %add3A_603, %scan3A_504 : i32
      %get3A_605 = arith.index_cast %add3A_604 : i32 to index
      %get3A_606 = arith.constant 96 : index
      %get3A_607 = tpu.vector_load %arg7[%get3A_605, %get3A_606] {strides = array<i32>} : memref<256x128xf32, #tpu.memory_space<vmem>>, vector<1x16xf32>,
      %get3A_608 = vector.shape_cast %get3A_607 : vector<1x16xf32> to vector<16xf32>
      %add3A_609 = arith.addf %get3A_602, %get3A_608 : vector<16xf32>
      %swap3A_610 = arith.index_cast %scan3A_504 : i32 to index
      %swap3A_611 = arith.constant 96 : index
      %swap3A_612 = tpu.vector_load %arg9[%swap3A_610, %swap3A_611] {strides = array<i32>} : memref<128x128xf32, #tpu.memory_space<vmem>>, vector<1x16xf32>,
      %swap3A_613 = vector.shape_cast %swap3A_612 : vector<1x16xf32> to vector<16xf32>
      %swap3A_614 = vector.shape_cast %add3A_609 : vector<16xf32> to vector<1x16xf32>
      tpu.vector_store %arg9[%swap3A_610, %swap3A_611], %swap3A_614 {strides = array<i32>} : memref<128x128xf32, #tpu.memory_space<vmem>>, vector<1x16xf32>,
      %get3A_615 = arith.index_cast %scan3A_504 : i32 to index
      %get3A_616 = arith.constant 112 : index
      %get3A_617 = tpu.vector_load %arg9[%get3A_615, %get3A_616] {strides = array<i32>} : memref<128x128xf32, #tpu.memory_space<vmem>>, vector<1x16xf32>,
      %get3A_618 = vector.shape_cast %get3A_617 : vector<1x16xf32> to vector<16xf32>
      %add3A_619 = arith.constant 0 : i32
      %add3A_620 = arith.addi %add3A_619, %scan3A_504 : i32
      %get3A_621 = arith.index_cast %add3A_620 : i32 to index
      %get3A_622 = arith.constant 112 : index
      %get3A_623 = tpu.vector_load %arg7[%get3A_621, %get3A_622] {strides = array<i32>} : memref<256x128xf32, #tpu.memory_space<vmem>>, vector<1x16xf32>,
      %get3A_624 = vector.shape_cast %get3A_623 : vector<1x16xf32> to vector<16xf32>
      %add3A_625 = arith.addf %get3A_618, %get3A_624 : vector<16xf32>
      %swap3A_626 = arith.index_cast %scan3A_504 : i32 to index
      %swap3A_627 = arith.constant 112 : index
      %swap3A_628 = tpu.vector_load %arg9[%swap3A_626, %swap3A_627] {strides = array<i32>} : memref<128x128xf32, #tpu.memory_space<vmem>>, vector<1x16xf32>,
      %swap3A_629 = vector.shape_cast %swap3A_628 : vector<1x16xf32> to vector<16xf32>
      %swap3A_630 = vector.shape_cast %add3A_625 : vector<16xf32> to vector<1x16xf32>
      tpu.vector_store %arg9[%swap3A_626, %swap3A_627], %swap3A_630 {strides = array<i32>} : memref<128x128xf32, #tpu.memory_space<vmem>>, vector<1x16xf32>,
    }
    %scan3A_437 = arith.constant 128 : i32
    %add3A_438 = arith.constant 0 : i32
    %add3A_439 = arith.addi %mul3A_2, %add3A_438 : i32
    %dma_start3A_440 = arith.constant 3 : i32
    %dma_start3A_441 = arith.constant 0 : i32
    %dma_start3A_442 = tpu.memref_slice %arg5[%dma_start3A_440, %add3A_439, %dma_start3A_441] : memref<4x8192x128xf32, #tpu.memory_space<hbm>> -> memref<1x128x128xf32, #tpu.memory_space<hbm>>
    %dma_start3A_443 = tpu.memref_squeeze %dma_start3A_442 : memref<1x128x128xf32, #tpu.memory_space<hbm>> -> memref<128x128xf32, #tpu.memory_space<hbm>>
    %dma_start3A_444 = arith.constant 0 : i32
    %dma_start3A_445 = tpu.memref_slice %arg5[%dma_start3A_440, %add3A_439, %dma_start3A_444] : memref<4x8192x128xf32, #tpu.memory_space<hbm>> -> memref<1x128x128xf32, #tpu.memory_space<hbm>>
    %dma_start3A_446 = tpu.memref_squeeze %dma_start3A_445 : memref<1x128x128xf32, #tpu.memory_space<hbm>> -> memref<128x128xf32, #tpu.memory_space<hbm>>
    tpu.enqueue_dma source(%arg9 : memref<128x128xf32, #tpu.memory_space<vmem>>) target(%dma_start3A_446 : memref<128x128xf32, #tpu.memory_space<hbm>>) target_semaphore(%arg19 : memref<!tpu.dma_semaphore, #tpu.memory_space<semaphore_mem>>)
    %dma_wait3A_447 = arith.constant 7 : i32
    %dma_wait3A_448 = arith.constant 0 : i32
    %dma_wait3A_449 = tpu.memref_slice %arg6[%dma_wait3A_447, %dma_wait3A_448] : memref<8x128xi32, #tpu.memory_space<vmem>> -> memref<1x128xi32, #tpu.memory_space<vmem>>
    %dma_wait3A_450 = tpu.memref_squeeze %dma_wait3A_449 : memref<1x128xi32, #tpu.memory_space<vmem>> -> memref<128xi32, #tpu.memory_space<vmem>>
    %dma_wait3A_451 = arith.constant 0 : i32
    %dma_wait3A_452 = arith.constant 0 : i32
    %dma_wait3A_453 = tpu.memref_slice %arg3[%dma_wait3A_451, %dma_wait3A_452] : memref<100000x128xf32, #tpu.memory_space<hbm>> -> memref<100000x128xf32, #tpu.memory_space<hbm>>
    tpu.wait_indirect_dma semaphore(%arg15 : memref<!tpu.dma_semaphore, #tpu.memory_space<semaphore_mem>>) src(%dma_wait3A_453 : memref<100000x128xf32, #tpu.memory_space<hbm>>) dst(%arg10 : memref<128x128xf32, #tpu.memory_space<vmem>>)
    %scan3A_454 = arith.constant 0 : i32
    %scan3A_455 = arith.constant 0 : i32
    %scan3A_456 = arith.constant 128 : i32
    %scan3A_457 = arith.addi %scan3A_455, %scan3A_456 : i32
    %scan3A_458 = arith.constant 1 : i32
    scf.for %scan3A_504 = %scan3A_455 to %scan3A_457 step %scan3A_458  : i32 {
      %get3A = arith.index_cast %scan3A_504 : i32 to index
      %get3A_505 = arith.constant 0 : index
      %get3A_506 = tpu.vector_load %arg10[%get3A, %get3A_505] {strides = array<i32>} : memref<128x128xf32, #tpu.memory_space<vmem>>, vector<1x16xf32>,
      %get3A_507 = vector.shape_cast %get3A_506 : vector<1x16xf32> to vector<16xf32>
      %add3A_508 = arith.constant 128 : i32
      %add3A_509 = arith.addi %add3A_508, %scan3A_504 : i32
      %get3A_510 = arith.index_cast %add3A_509 : i32 to index
      %get3A_511 = arith.constant 0 : index
      %get3A_512 = tpu.vector_load %arg7[%get3A_510, %get3A_511] {strides = array<i32>} : memref<256x128xf32, #tpu.memory_space<vmem>>, vector<1x16xf32>,
      %get3A_513 = vector.shape_cast %get3A_512 : vector<1x16xf32> to vector<16xf32>
      %add3A_514 = arith.addf %get3A_507, %get3A_513 : vector<16xf32>
      %swap3A = arith.index_cast %scan3A_504 : i32 to index
      %swap3A_515 = arith.constant 0 : index
      %swap3A_516 = tpu.vector_load %arg10[%swap3A, %swap3A_515] {strides = array<i32>} : memref<128x128xf32, #tpu.memory_space<vmem>>, vector<1x16xf32>,
      %swap3A_517 = vector.shape_cast %swap3A_516 : vector<1x16xf32> to vector<16xf32>
      %swap3A_518 = vector.shape_cast %add3A_514 : vector<16xf32> to vector<1x16xf32>
      tpu.vector_store %arg10[%swap3A, %swap3A_515], %swap3A_518 {strides = array<i32>} : memref<128x128xf32, #tpu.memory_space<vmem>>, vector<1x16xf32>,
      %get3A_519 = arith.index_cast %scan3A_504 : i32 to index
      %get3A_520 = arith.constant 16 : index
      %get3A_521 = tpu.vector_load %arg10[%get3A_519, %get3A_520] {strides = array<i32>} : memref<128x128xf32, #tpu.memory_space<vmem>>, vector<1x16xf32>,
      %get3A_522 = vector.shape_cast %get3A_521 : vector<1x16xf32> to vector<16xf32>
      %add3A_523 = arith.constant 128 : i32
      %add3A_524 = arith.addi %add3A_523, %scan3A_504 : i32
      %get3A_525 = arith.index_cast %add3A_524 : i32 to index
      %get3A_526 = arith.constant 16 : index
      %get3A_527 = tpu.vector_load %arg7[%get3A_525, %get3A_526] {strides = array<i32>} : memref<256x128xf32, #tpu.memory_space<vmem>>, vector<1x16xf32>,
      %get3A_528 = vector.shape_cast %get3A_527 : vector<1x16xf32> to vector<16xf32>
      %add3A_529 = arith.addf %get3A_522, %get3A_528 : vector<16xf32>
      %swap3A_530 = arith.index_cast %scan3A_504 : i32 to index
      %swap3A_531 = arith.constant 16 : index
      %swap3A_532 = tpu.vector_load %arg10[%swap3A_530, %swap3A_531] {strides = array<i32>} : memref<128x128xf32, #tpu.memory_space<vmem>>, vector<1x16xf32>,
      %swap3A_533 = vector.shape_cast %swap3A_532 : vector<1x16xf32> to vector<16xf32>
      %swap3A_534 = vector.shape_cast %add3A_529 : vector<16xf32> to vector<1x16xf32>
      tpu.vector_store %arg10[%swap3A_530, %swap3A_531], %swap3A_534 {strides = array<i32>} : memref<128x128xf32, #tpu.memory_space<vmem>>, vector<1x16xf32>,
      %get3A_535 = arith.index_cast %scan3A_504 : i32 to index
      %get3A_536 = arith.constant 32 : index
      %get3A_537 = tpu.vector_load %arg10[%get3A_535, %get3A_536] {strides = array<i32>} : memref<128x128xf32, #tpu.memory_space<vmem>>, vector<1x16xf32>,
      %get3A_538 = vector.shape_cast %get3A_537 : vector<1x16xf32> to vector<16xf32>
      %add3A_539 = arith.constant 128 : i32
      %add3A_540 = arith.addi %add3A_539, %scan3A_504 : i32
      %get3A_541 = arith.index_cast %add3A_540 : i32 to index
      %get3A_542 = arith.constant 32 : index
      %get3A_543 = tpu.vector_load %arg7[%get3A_541, %get3A_542] {strides = array<i32>} : memref<256x128xf32, #tpu.memory_space<vmem>>, vector<1x16xf32>,
      %get3A_544 = vector.shape_cast %get3A_543 : vector<1x16xf32> to vector<16xf32>
      %add3A_545 = arith.addf %get3A_538, %get3A_544 : vector<16xf32>
      %swap3A_546 = arith.index_cast %scan3A_504 : i32 to index
      %swap3A_547 = arith.constant 32 : index
      %swap3A_548 = tpu.vector_load %arg10[%swap3A_546, %swap3A_547] {strides = array<i32>} : memref<128x128xf32, #tpu.memory_space<vmem>>, vector<1x16xf32>,
      %swap3A_549 = vector.shape_cast %swap3A_548 : vector<1x16xf32> to vector<16xf32>
      %swap3A_550 = vector.shape_cast %add3A_545 : vector<16xf32> to vector<1x16xf32>
      tpu.vector_store %arg10[%swap3A_546, %swap3A_547], %swap3A_550 {strides = array<i32>} : memref<128x128xf32, #tpu.memory_space<vmem>>, vector<1x16xf32>,
      %get3A_551 = arith.index_cast %scan3A_504 : i32 to index
      %get3A_552 = arith.constant 48 : index
      %get3A_553 = tpu.vector_load %arg10[%get3A_551, %get3A_552] {strides = array<i32>} : memref<128x128xf32, #tpu.memory_space<vmem>>, vector<1x16xf32>,
      %get3A_554 = vector.shape_cast %get3A_553 : vector<1x16xf32> to vector<16xf32>
      %add3A_555 = arith.constant 128 : i32
      %add3A_556 = arith.addi %add3A_555, %scan3A_504 : i32
      %get3A_557 = arith.index_cast %add3A_556 : i32 to index
      %get3A_558 = arith.constant 48 : index
      %get3A_559 = tpu.vector_load %arg7[%get3A_557, %get3A_558] {strides = array<i32>} : memref<256x128xf32, #tpu.memory_space<vmem>>, vector<1x16xf32>,
      %get3A_560 = vector.shape_cast %get3A_559 : vector<1x16xf32> to vector<16xf32>
      %add3A_561 = arith.addf %get3A_554, %get3A_560 : vector<16xf32>
      %swap3A_562 = arith.index_cast %scan3A_504 : i32 to index
      %swap3A_563 = arith.constant 48 : index
      %swap3A_564 = tpu.vector_load %arg10[%swap3A_562, %swap3A_563] {strides = array<i32>} : memref<128x128xf32, #tpu.memory_space<vmem>>, vector<1x16xf32>,
      %swap3A_565 = vector.shape_cast %swap3A_564 : vector<1x16xf32> to vector<16xf32>
      %swap3A_566 = vector.shape_cast %add3A_561 : vector<16xf32> to vector<1x16xf32>
      tpu.vector_store %arg10[%swap3A_562, %swap3A_563], %swap3A_566 {strides = array<i32>} : memref<128x128xf32, #tpu.memory_space<vmem>>, vector<1x16xf32>,
      %get3A_567 = arith.index_cast %scan3A_504 : i32 to index
      %get3A_568 = arith.constant 64 : index
      %get3A_569 = tpu.vector_load %arg10[%get3A_567, %get3A_568] {strides = array<i32>} : memref<128x128xf32, #tpu.memory_space<vmem>>, vector<1x16xf32>,
      %get3A_570 = vector.shape_cast %get3A_569 : vector<1x16xf32> to vector<16xf32>
      %add3A_571 = arith.constant 128 : i32
      %add3A_572 = arith.addi %add3A_571, %scan3A_504 : i32
      %get3A_573 = arith.index_cast %add3A_572 : i32 to index
      %get3A_574 = arith.constant 64 : index
      %get3A_575 = tpu.vector_load %arg7[%get3A_573, %get3A_574] {strides = array<i32>} : memref<256x128xf32, #tpu.memory_space<vmem>>, vector<1x16xf32>,
      %get3A_576 = vector.shape_cast %get3A_575 : vector<1x16xf32> to vector<16xf32>
      %add3A_577 = arith.addf %get3A_570, %get3A_576 : vector<16xf32>
      %swap3A_578 = arith.index_cast %scan3A_504 : i32 to index
      %swap3A_579 = arith.constant 64 : index
      %swap3A_580 = tpu.vector_load %arg10[%swap3A_578, %swap3A_579] {strides = array<i32>} : memref<128x128xf32, #tpu.memory_space<vmem>>, vector<1x16xf32>,
      %swap3A_581 = vector.shape_cast %swap3A_580 : vector<1x16xf32> to vector<16xf32>
      %swap3A_582 = vector.shape_cast %add3A_577 : vector<16xf32> to vector<1x16xf32>
      tpu.vector_store %arg10[%swap3A_578, %swap3A_579], %swap3A_582 {strides = array<i32>} : memref<128x128xf32, #tpu.memory_space<vmem>>, vector<1x16xf32>,
      %get3A_583 = arith.index_cast %scan3A_504 : i32 to index
      %get3A_584 = arith.constant 80 : index
      %get3A_585 = tpu.vector_load %arg10[%get3A_583, %get3A_584] {strides = array<i32>} : memref<128x128xf32, #tpu.memory_space<vmem>>, vector<1x16xf32>,
      %get3A_586 = vector.shape_cast %get3A_585 : vector<1x16xf32> to vector<16xf32>
      %add3A_587 = arith.constant 128 : i32
      %add3A_588 = arith.addi %add3A_587, %scan3A_504 : i32
      %get3A_589 = arith.index_cast %add3A_588 : i32 to index
      %get3A_590 = arith.constant 80 : index
      %get3A_591 = tpu.vector_load %arg7[%get3A_589, %get3A_590] {strides = array<i32>} : memref<256x128xf32, #tpu.memory_space<vmem>>, vector<1x16xf32>,
      %get3A_592 = vector.shape_cast %get3A_591 : vector<1x16xf32> to vector<16xf32>
      %add3A_593 = arith.addf %get3A_586, %get3A_592 : vector<16xf32>
      %swap3A_594 = arith.index_cast %scan3A_504 : i32 to index
      %swap3A_595 = arith.constant 80 : index
      %swap3A_596 = tpu.vector_load %arg10[%swap3A_594, %swap3A_595] {strides = array<i32>} : memref<128x128xf32, #tpu.memory_space<vmem>>, vector<1x16xf32>,
      %swap3A_597 = vector.shape_cast %swap3A_596 : vector<1x16xf32> to vector<16xf32>
      %swap3A_598 = vector.shape_cast %add3A_593 : vector<16xf32> to vector<1x16xf32>
      tpu.vector_store %arg10[%swap3A_594, %swap3A_595], %swap3A_598 {strides = array<i32>} : memref<128x128xf32, #tpu.memory_space<vmem>>, vector<1x16xf32>,
      %get3A_599 = arith.index_cast %scan3A_504 : i32 to index
      %get3A_600 = arith.constant 96 : index
      %get3A_601 = tpu.vector_load %arg10[%get3A_599, %get3A_600] {strides = array<i32>} : memref<128x128xf32, #tpu.memory_space<vmem>>, vector<1x16xf32>,
      %get3A_602 = vector.shape_cast %get3A_601 : vector<1x16xf32> to vector<16xf32>
      %add3A_603 = arith.constant 128 : i32
      %add3A_604 = arith.addi %add3A_603, %scan3A_504 : i32
      %get3A_605 = arith.index_cast %add3A_604 : i32 to index
      %get3A_606 = arith.constant 96 : index
      %get3A_607 = tpu.vector_load %arg7[%get3A_605, %get3A_606] {strides = array<i32>} : memref<256x128xf32, #tpu.memory_space<vmem>>, vector<1x16xf32>,
      %get3A_608 = vector.shape_cast %get3A_607 : vector<1x16xf32> to vector<16xf32>
      %add3A_609 = arith.addf %get3A_602, %get3A_608 : vector<16xf32>
      %swap3A_610 = arith.index_cast %scan3A_504 : i32 to index
      %swap3A_611 = arith.constant 96 : index
      %swap3A_612 = tpu.vector_load %arg10[%swap3A_610, %swap3A_611] {strides = array<i32>} : memref<128x128xf32, #tpu.memory_space<vmem>>, vector<1x16xf32>,
      %swap3A_613 = vector.shape_cast %swap3A_612 : vector<1x16xf32> to vector<16xf32>
      %swap3A_614 = vector.shape_cast %add3A_609 : vector<16xf32> to vector<1x16xf32>
      tpu.vector_store %arg10[%swap3A_610, %swap3A_611], %swap3A_614 {strides = array<i32>} : memref<128x128xf32, #tpu.memory_space<vmem>>, vector<1x16xf32>,
      %get3A_615 = arith.index_cast %scan3A_504 : i32 to index
      %get3A_616 = arith.constant 112 : index
      %get3A_617 = tpu.vector_load %arg10[%get3A_615, %get3A_616] {strides = array<i32>} : memref<128x128xf32, #tpu.memory_space<vmem>>, vector<1x16xf32>,
      %get3A_618 = vector.shape_cast %get3A_617 : vector<1x16xf32> to vector<16xf32>
      %add3A_619 = arith.constant 128 : i32
      %add3A_620 = arith.addi %add3A_619, %scan3A_504 : i32
      %get3A_621 = arith.index_cast %add3A_620 : i32 to index
      %get3A_622 = arith.constant 112 : index
      %get3A_623 = tpu.vector_load %arg7[%get3A_621, %get3A_622] {strides = array<i32>} : memref<256x128xf32, #tpu.memory_space<vmem>>, vector<1x16xf32>,
      %get3A_624 = vector.shape_cast %get3A_623 : vector<1x16xf32> to vector<16xf32>
      %add3A_625 = arith.addf %get3A_618, %get3A_624 : vector<16xf32>
      %swap3A_626 = arith.index_cast %scan3A_504 : i32 to index
      %swap3A_627 = arith.constant 112 : index
      %swap3A_628 = tpu.vector_load %arg10[%swap3A_626, %swap3A_627] {strides = array<i32>} : memref<128x128xf32, #tpu.memory_space<vmem>>, vector<1x16xf32>,
      %swap3A_629 = vector.shape_cast %swap3A_628 : vector<1x16xf32> to vector<16xf32>
      %swap3A_630 = vector.shape_cast %add3A_625 : vector<16xf32> to vector<1x16xf32>
      tpu.vector_store %arg10[%swap3A_626, %swap3A_627], %swap3A_630 {strides = array<i32>} : memref<128x128xf32, #tpu.memory_space<vmem>>, vector<1x16xf32>,
    }
    %scan3A_459 = arith.constant 128 : i32
    %add3A_460 = arith.constant 128 : i32
    %add3A_461 = arith.addi %mul3A_2, %add3A_460 : i32
    %dma_start3A_462 = arith.constant 3 : i32
    %dma_start3A_463 = arith.constant 0 : i32
    %dma_start3A_464 = tpu.memref_slice %arg5[%dma_start3A_462, %add3A_461, %dma_start3A_463] : memref<4x8192x128xf32, #tpu.memory_space<hbm>> -> memref<1x128x128xf32, #tpu.memory_space<hbm>>
    %dma_start3A_465 = tpu.memref_squeeze %dma_start3A_464 : memref<1x128x128xf32, #tpu.memory_space<hbm>> -> memref<128x128xf32, #tpu.memory_space<hbm>>
    %dma_start3A_466 = arith.constant 0 : i32
    %dma_start3A_467 = tpu.memref_slice %arg5[%dma_start3A_462, %add3A_461, %dma_start3A_466] : memref<4x8192x128xf32, #tpu.memory_space<hbm>> -> memref<1x128x128xf32, #tpu.memory_space<hbm>>
    %dma_start3A_468 = tpu.memref_squeeze %dma_start3A_467 : memref<1x128x128xf32, #tpu.memory_space<hbm>> -> memref<128x128xf32, #tpu.memory_space<hbm>>
    tpu.enqueue_dma source(%arg10 : memref<128x128xf32, #tpu.memory_space<vmem>>) target(%dma_start3A_468 : memref<128x128xf32, #tpu.memory_space<hbm>>) target_semaphore(%arg20 : memref<!tpu.dma_semaphore, #tpu.memory_space<semaphore_mem>>)
    %dma_wait3A_469 = arith.constant 2 : i32
    %dma_wait3A_470 = arith.constant 0 : i32
    %dma_wait3A_471 = tpu.memref_slice %arg5[%dma_wait3A_469, %add3A_417, %dma_wait3A_470] : memref<4x8192x128xf32, #tpu.memory_space<hbm>> -> memref<1x128x128xf32, #tpu.memory_space<hbm>>
    %dma_wait3A_472 = tpu.memref_squeeze %dma_wait3A_471 : memref<1x128x128xf32, #tpu.memory_space<hbm>> -> memref<128x128xf32, #tpu.memory_space<hbm>>
    %dma_wait3A_473 = arith.constant 0 : i32
    %dma_wait3A_474 = tpu.memref_slice %arg5[%dma_wait3A_469, %add3A_417, %dma_wait3A_473] : memref<4x8192x128xf32, #tpu.memory_space<hbm>> -> memref<1x128x128xf32, #tpu.memory_space<hbm>>
    %dma_wait3A_475 = tpu.memref_squeeze %dma_wait3A_474 : memref<1x128x128xf32, #tpu.memory_space<hbm>> -> memref<128x128xf32, #tpu.memory_space<hbm>>
    tpu.wait_dma2 semaphore(%arg18 : memref<!tpu.dma_semaphore, #tpu.memory_space<semaphore_mem>>) src(%arg8 : memref<128x128xf32, #tpu.memory_space<vmem>>) dst(%dma_wait3A_475 : memref<128x128xf32, #tpu.memory_space<hbm>>)
    %dma_wait3A_476 = arith.constant 3 : i32
    %dma_wait3A_477 = arith.constant 0 : i32
    %dma_wait3A_478 = tpu.memref_slice %arg5[%dma_wait3A_476, %add3A_439, %dma_wait3A_477] : memref<4x8192x128xf32, #tpu.memory_space<hbm>> -> memref<1x128x128xf32, #tpu.memory_space<hbm>>
    %dma_wait3A_479 = tpu.memref_squeeze %dma_wait3A_478 : memref<1x128x128xf32, #tpu.memory_space<hbm>> -> memref<128x128xf32, #tpu.memory_space<hbm>>
    %dma_wait3A_480 = arith.constant 0 : i32
    %dma_wait3A_481 = tpu.memref_slice %arg5[%dma_wait3A_476, %add3A_439, %dma_wait3A_480] : memref<4x8192x128xf32, #tpu.memory_space<hbm>> -> memref<1x128x128xf32, #tpu.memory_space<hbm>>
    %dma_wait3A_482 = tpu.memref_squeeze %dma_wait3A_481 : memref<1x128x128xf32, #tpu.memory_space<hbm>> -> memref<128x128xf32, #tpu.memory_space<hbm>>
    tpu.wait_dma2 semaphore(%arg19 : memref<!tpu.dma_semaphore, #tpu.memory_space<semaphore_mem>>) src(%arg9 : memref<128x128xf32, #tpu.memory_space<vmem>>) dst(%dma_wait3A_482 : memref<128x128xf32, #tpu.memory_space<hbm>>)
    %dma_wait3A_483 = arith.constant 3 : i32
    %dma_wait3A_484 = arith.constant 0 : i32
    %dma_wait3A_485 = tpu.memref_slice %arg5[%dma_wait3A_483, %add3A_461, %dma_wait3A_484] : memref<4x8192x128xf32, #tpu.memory_space<hbm>> -> memref<1x128x128xf32, #tpu.memory_space<hbm>>
    %dma_wait3A_486 = tpu.memref_squeeze %dma_wait3A_485 : memref<1x128x128xf32, #tpu.memory_space<hbm>> -> memref<128x128xf32, #tpu.memory_space<hbm>>
    %dma_wait3A_487 = arith.constant 0 : i32
    %dma_wait3A_488 = tpu.memref_slice %arg5[%dma_wait3A_483, %add3A_461, %dma_wait3A_487] : memref<4x8192x128xf32, #tpu.memory_space<hbm>> -> memref<1x128x128xf32, #tpu.memory_space<hbm>>
    %dma_wait3A_489 = tpu.memref_squeeze %dma_wait3A_488 : memref<1x128x128xf32, #tpu.memory_space<hbm>> -> memref<128x128xf32, #tpu.memory_space<hbm>>
    tpu.wait_dma2 semaphore(%arg20 : memref<!tpu.dma_semaphore, #tpu.memory_space<semaphore_mem>>) src(%arg10 : memref<128x128xf32, #tpu.memory_space<vmem>>) dst(%dma_wait3A_489 : memref<128x128xf32, #tpu.memory_space<hbm>>)
    %dma_wait3A_490 = arith.constant 1 : i32
    %dma_wait3A_491 = arith.constant 0 : i32
    %dma_wait3A_492 = tpu.memref_slice %arg5[%dma_wait3A_490, %add3A_359, %dma_wait3A_491] : memref<4x8192x128xf32, #tpu.memory_space<hbm>> -> memref<1x128x128xf32, #tpu.memory_space<hbm>>
    %dma_wait3A_493 = tpu.memref_squeeze %dma_wait3A_492 : memref<1x128x128xf32, #tpu.memory_space<hbm>> -> memref<128x128xf32, #tpu.memory_space<hbm>>
    %dma_wait3A_494 = arith.constant 0 : i32
    %dma_wait3A_495 = tpu.memref_slice %arg5[%dma_wait3A_490, %add3A_359, %dma_wait3A_494] : memref<4x8192x128xf32, #tpu.memory_space<hbm>> -> memref<1x128x128xf32, #tpu.memory_space<hbm>>
    %dma_wait3A_496 = tpu.memref_squeeze %dma_wait3A_495 : memref<1x128x128xf32, #tpu.memory_space<hbm>> -> memref<128x128xf32, #tpu.memory_space<hbm>>
    tpu.wait_dma2 semaphore(%arg21 : memref<!tpu.dma_semaphore, #tpu.memory_space<semaphore_mem>>) src(%arg11 : memref<128x128xf32, #tpu.memory_space<vmem>>) dst(%dma_wait3A_496 : memref<128x128xf32, #tpu.memory_space<hbm>>)
    %dma_wait3A_497 = arith.constant 2 : i32
    %dma_wait3A_498 = arith.constant 0 : i32
    %dma_wait3A_499 = tpu.memref_slice %arg5[%dma_wait3A_497, %add3A_395, %dma_wait3A_498] : memref<4x8192x128xf32, #tpu.memory_space<hbm>> -> memref<1x128x128xf32, #tpu.memory_space<hbm>>
    %dma_wait3A_500 = tpu.memref_squeeze %dma_wait3A_499 : memref<1x128x128xf32, #tpu.memory_space<hbm>> -> memref<128x128xf32, #tpu.memory_space<hbm>>
    %dma_wait3A_501 = arith.constant 0 : i32
    %dma_wait3A_502 = tpu.memref_slice %arg5[%dma_wait3A_497, %add3A_395, %dma_wait3A_501] : memref<4x8192x128xf32, #tpu.memory_space<hbm>> -> memref<1x128x128xf32, #tpu.memory_space<hbm>>
    %dma_wait3A_503 = tpu.memref_squeeze %dma_wait3A_502 : memref<1x128x128xf32, #tpu.memory_space<hbm>> -> memref<128x128xf32, #tpu.memory_space<hbm>>
    tpu.wait_dma2 semaphore(%arg22 : memref<!tpu.dma_semaphore, #tpu.memory_space<semaphore_mem>>) src(%arg12 : memref<128x128xf32, #tpu.memory_space<vmem>>) dst(%dma_wait3A_503 : memref<128x128xf32, #tpu.memory_space<hbm>>)
    return
  }
}

</mosaic_0001>

<sc_bundles>
// kernel: kernel.3.cloned.1.call-start
scs
__scs_entry_jumppad:
0x0: {  	(pc) =	sbr.rel $0x88, $3  }
0x1: {  	(tag) =	ssettag $0x0;
	lr =	simm.s32 $0x1  }
0x2: {  	[smem:$0x3F9E] =	sst lr;
	_ =	strace $0xD0000000  }
0x3: {  	_ = 	snop  }
0x4: {  	_ = 	snop  }
0x5: {  	_ = 	snop  }
0x6: {  	_ = 	snop  }
0x7: {  	_ = 	snop  }
__scs_overlays_trampoline_lowered:
0x8: {  	[smem:$0x3FAD] =	sst s0  }
0x9: {  	[smem:$0x3FAE] =	sst s1  }
0xa: {  	[smem:$0x3FAF] =	sst s2  }
0xb: {  	[smem:$0x3FB0] =	sst s3  }
0xc: {  	[smem:$0x3FB1] =	sst s4  }
0xd: {  	[smem:$0x3FB2] =	sst s5  }
0xe: {  	[smem:$0x3FB3] =	sst s6  }
0xf: {  	[smem:$0x3FB4] =	sst s7  }
0x10: {  	[smem:$0x3FB5] =	sst s8  }
0x11: {  	[smem:$0x3FB6] =	sst s9;
	s0 =	simm.s32 @!p0 $0x0  }
0x12: {  	s1 =	sld [smem:$0x3F9C];
	s0 =	simm.s32 @p0 $0x1  }
0x13: {  	[smem:$0x3FB7] =	sst s0;
	s0 =	simm.s32 @!p1 $0x0  }
0x14: {  	s2 =	sld [smem:$0x3F9B];
	s0 =	simm.s32 @p1 $0x1  }
0x15: {  	[smem:$0x3FB8] =	sst s0;
	s0 =	simm.s32 @!p2 $0x0  }
0x16: {  	s3 =	sld [smem:$0x3FDB];
	s0 =	simm.s32 @p2 $0x1  }
0x17: {  	s4 =	simm.s32 $0x1BF5;
	[smem:$0x3FBA] =	sst s0  }
0x18: {  	s0 =	sld [smem:$0x3F9D];
	_ =	swait.ge [sflag:s4], $0x0  }
0x19: {  	s7 =	sld [smem:$0x3F9E]  }
0x1a: {  	s8 =	sadd.s32 $0xFFFFE003, lr  }
0x1b: {  	s9 =	sadd.s32 $0xFFFFFEF7, lr;
	s5 =	simm.s32 $0xFFFFFFFF;
	p2 =	slt.u32 s8, $0xFFFFF086  }
0x1c: {  	p1 =	slt.u32 s9, $0xF7A;
	s5 =	simm.s32 @!p2 $0x0  }
0x1d: {  	s5 =	simm.s32 @p1 $0x1;
	p0 =	seq.s32 s7, s2  }
0x1e: {  	s7 =	smul.u32 @!p0 $0xF7A, s2;
	p2 =	seq.s32 @!p0 s5, $0x0  }
0x1f: {  	s9 =	smul.u32 $0xF7A, s1;
	s8 =	simm.s32 @!p0 $0x1BF5;
	p2 =	por !p2, p0  }
0x20: {  	[sflag:s8] =	ssyncset.s32 @!p0 $0xFFFFF086;
	s6 =	sadd.s32 @!p0 s3, s7;
	s7 =	simm.s32 @!p0 $0x108  }
0x21: {  	s3 =	sadd.s32 s3, s9;
	s6 =	sadd.s32 @!p0 $0x88, s6;
	s7 =	simm.s32 @p2 $0x1082  }
0x22: {  	[simem:s7], [sflag:s8] =	dma.local @!p0 [hbm:s6], $0xF7A  }
0x23: {  	s9 =	sor.u32 $0xD0000000, s2;
	s6 =	simm.s32 $0x108;
	_ =	swait.ge @!p0 [sflag:s8], $0x0  }
0x24: {  	s3 =	sadd.s32 $0x88, s3;
	s6 =	simm.s32 @!p1 $0x1082;
	[sflag:s4] =	ssyncset.s32 $0xFFFFF086  }
0x25: {  	[simem:s6], [sflag:s4] =	dma.local [hbm:s3], $0xF7A  }
0x26: {  	[smem:$0x3F9E] =	sst s1;
	(tag) =	ssettag s2;
	_ =	strace s9  }
0x27: {  	s1 =	sld [smem:$0x3FAE]  }
0x28: {  	s2 =	sld [smem:$0x3FAF]  }
0x29: {  	s4 =	sld [smem:$0x3FB1]  }
0x2a: {  	p0 =	seq.s32 s5, $0x0;
	s5 =	sld [smem:$0x3FB2]  }
0x2b: {  	s6 =	sld [smem:$0x3FB3]  }
0x2c: {  	s7 =	sld [smem:$0x3FB4]  }
0x2d: {  	s3 =	simm.s32 $0x108;
	s8 =	sld [smem:$0x3FB5]  }
0x2e: {  	s3 =	simm.s32 @!p0 $0x1082;
	s9 =	sld [smem:$0x3FB6]  }
0x2f: {  	lr =	sadd.s32 s0, s3;
	s0 =	sld [smem:$0x3FAD]  }
0x30: {  	s3 =	sld [smem:$0x3FB0]  }
0x31: {  	[smem:$0x3FB9] =	sst s10  }
0x32: {  	s10 =	sld [smem:$0x3FB7];
	_ =	sdelay $0x3  }
0x33: {  	p0 =	seq.s32 s10, $0x1;
	s10 =	sld [smem:$0x3FB9];
	_ =	sdelay $0x3  }
0x34: {  	[smem:$0x3FB9] =	sst s10  }
0x35: {  	s10 =	sld [smem:$0x3FB8];
	_ =	sdelay $0x3  }
0x36: {  	p1 =	seq.s32 s10, $0x1;
	s10 =	sld [smem:$0x3FB9];
	_ =	sdelay $0x3  }
0x37: {  	[smem:$0x3FB9] =	sst s10  }
0x38: {  	s10 =	sld [smem:$0x3FBA]  }
0x39: {  	_ = 	snop;
	(pc) =	sbr.ind lr, $3  }
0x3a: {  	_ = 	snop  }
0x3b: {  	_ = 	snop  }
0x3c: {  	p2 =	seq.s32 s10, $0x1;
	s10 =	sld [smem:$0x3FB9]  }
0x3d: {  	_ =	shalt  }
0x3e: {  	_ =	shalt  }
0x3f: {  	_ =	shalt  }
0x40: {  	_ =	shalt  }
0x41: {  	_ =	shalt  }
0x42: {  	_ =	shalt  }
0x43: {  	_ =	shalt  }
0x44: {  	_ =	shalt  }
0x45: {  	_ =	shalt  }
0x46: {  	_ =	shalt  }
0x47: {  	_ =	shalt  }
0x48: {  	_ =	shalt  }
0x49: {  	_ =	shalt  }
0x4a: {  	_ =	shalt  }
0x4b: {  	_ =	shalt  }
0x4c: {  	_ =	shalt  }
0x4d: {  	_ =	shalt  }
0x4e: {  	_ =	shalt  }
0x4f: {  	_ =	shalt  }
0x50: {  	_ =	shalt  }
0x51: {  	_ =	shalt  }
0x52: {  	_ =	shalt  }
0x53: {  	_ =	shalt  }
0x54: {  	_ =	shalt  }
0x55: {  	_ =	shalt  }
0x56: {  	_ =	shalt  }
0x57: {  	_ =	shalt  }
0x58: {  	_ =	shalt  }
0x59: {  	_ =	shalt  }
0x5a: {  	_ =	shalt  }
0x5b: {  	_ =	shalt  }
0x5c: {  	_ =	shalt  }
0x5d: {  	_ =	shalt  }
0x5e: {  	_ =	shalt  }
0x5f: {  	_ =	shalt  }
0x60: {  	_ =	shalt  }
0x61: {  	_ =	shalt  }
0x62: {  	_ =	shalt  }
0x63: {  	_ =	shalt  }
0x64: {  	_ =	shalt  }
0x65: {  	_ =	shalt  }
0x66: {  	_ =	shalt  }
0x67: {  	_ =	shalt  }
0x68: {  	_ =	shalt  }
0x69: {  	_ =	shalt  }
0x6a: {  	_ =	shalt  }
0x6b: {  	_ =	shalt  }
0x6c: {  	_ =	shalt  }
0x6d: {  	_ =	shalt  }
0x6e: {  	_ =	shalt  }
0x6f: {  	_ =	shalt  }
0x70: {  	_ =	shalt  }
0x71: {  	_ =	shalt  }
0x72: {  	_ =	shalt  }
0x73: {  	_ =	shalt  }
0x74: {  	_ =	shalt  }
0x75: {  	_ =	shalt  }
0x76: {  	_ =	shalt  }
0x77: {  	_ =	shalt  }
0x78: {  	_ =	shalt  }
0x79: {  	_ =	shalt  }
0x7a: {  	_ =	shalt  }
0x7b: {  	_ =	shalt  }
0x7c: {  	_ =	shalt  }
0x7d: {  	_ =	shalt  }
0x7e: {  	_ =	shalt  }
0x7f: {  	_ =	shalt  }
0x80: {  	_ =	shalt  }
0x81: {  	_ =	shalt  }
0x82: {  	_ =	shalt  }
0x83: {  	_ =	shalt  }
0x84: {  	_ =	shalt  }
0x85: {  	_ =	shalt  }
0x86: {  	_ =	shalt  }
0x87: {  	_ =	shalt  }
.Lfunc_end0:
.L_simem_size_0:
called_computation_lowered:
.L_overlay_start_0:
0x88: {  	s2 =	sld [smem:$0x3FD9]  }
0x89: {  	s3 =	sld [smem:$0x3FFE];
	_ =	sdelay $0x1  }
0x8a: {  	s1 =	srdreg.scid  }
0x8b: {  	s0 =	sand.u32 $0x1, s1  }
0x8c: {  	s18 =	sshll.u32 s0, $0xA;
	s2 =	sadd.s32 s3, s2  }
0x8d: {  	s2 =	sadd.s32 s2, s18  }
0x8e: {  	[smem:$0x3FC5] =	sst s2  }
0x8f: {  	_ = 	snop  }
0x90: {  	s2 =	sld [smem:$0x3FC9]  }
0x91: {  	s19 =	sld [smem:$0x3FC8]  }
0x92: {  	s4 =	sld [smem:$0x3FC7]  }
0x93: {  	s5 =	sld [smem:$0x3FD0];
	(tm) =	ssettm $0x1  }
0x94: {  	s6 =	sld [smem:$0x3FFB];
	_ =	sdelay $0x3  }
0x95: {  	_ =	strace s6  }
0x96: {  	s6 =	sld [smem:$0x3FFC];
	_ =	sdelay $0x3  }
0x97: {  	_ =	strace s6  }
0x98: {  	s6 =	sld [smem:$0x3FFD];
	_ =	sdelay $0x3  }
0x99: {  	_ =	strace s6  }
0x9a: {  	_ =	strace $0x8FFFFFFF  }
0x9b: {  	s20 =	sld [smem:$0x3FDB];
	_ =	sdelay $0x1  }
0x9c: {  	s7 =	simm.s32 $_scs_section_size  }
0x9d: {  	s8 =	simm.s32 $_size__tile_overlayer_lowered;
	s9 =	simm.s32 $_tile_overlayer_lowered  }
0x9e: {  	s23 =	simm.s32 $0x1BFF;
	s22 =	sshll.u32 s9, $0x1;
	s6 =	sadd.s32 s7, s20  }
0x9f: {  	s10 =	simm.s32 $0x0;
	s21 =	sshll.u32 s8, $0x1;
	s8 =	sadd.s32 s22, s6  }
0xa0: {  	[timem:s10], [sflag:s23] =	dma.local [hbm:s8], s21  }
0xa1: {  	_ =	swait.ge [sflag:s23], s21  }
0xa2: {  	s7 =	ssub.s32 $0x0, s21;
	[sflag:s23] =	ssyncset.done $0x0  }
0xa3: {  	[sflag:s23] =	ssyncadd.s32 s7;
	_ =	sdelay $0x1  }
0xa4: {  	s24 =	simm.s32 $0x1B8B  }
0xa5: {  	_ =	swait.ge [sflag:s24], $0x1  }
0xa6: {  	[sflag:s24] =	ssyncset.done $0x0  }
0xa7: {  	s25 =	simm.s32 $0x1B8E;
	[sflag:s24] =	ssyncadd.s32 $0xFFFFFFFF  }
0xa8: {  	s26 =	simm.s32 $execute0_lowered;
	[smem:$0x3FD2] =	sst s25  }
0xa9: {  	s7 =	sshll.u32 s26, $0x1;
	_ =	strace $0x80000046;
	[dreg:$0x1] =	wrdreg $0xFFFFFFFF  }
0xaa: {  	s28 =	simm.s32 $_size_execute0_lowered;
	s6 =	sadd.s32 s6, s7;
	[dreg:$0x0] =	wrdreg $0x0  }
0xab: {  	s7 =	sshll.u32 s28, $0x1;
	[dreg:$0x2] =	wrdreg s6  }
0xac: {  	[dreg:$0x3] =	wrdreg s7  }
0xad: {  	[dreg:$0x4] =	wrdreg $0xC0  }
0xae: {  	_ =	task [dreg:s10], $0x5FFFF  }
0xaf: {  	[dreg:$0x1] =	wrdreg $0xFFFFFFFF  }
0xb0: {  	[dreg:$0x0] =	wrdreg $0x60  }
0xb1: {  	[dreg:$0x2] =	wrdreg s2  }
0xb2: {  	[dreg:$0x3] =	wrdreg s19  }
0xb3: {  	[dreg:$0x4] =	wrdreg s4  }
0xb4: {  	[dreg:$0x5] =	wrdreg s5  }
0xb5: {  	[dreg:$0x6] =	wrdreg $0x9  }
0xb6: {  	_ =	task.clear_ibuf [dreg:s10], $0x7FFFF;
	_ =	strace $0x90000046  }
0xb7: {  	s29 =	simm.s32 $0x9;
	_ =	strace $0x80000048  }
0xb8: {  	_ =	swait.ge [sflag:s29], $0x1  }
0xb9: {  	[sflag:s29] =	ssyncadd.s32 $0xFFFFFFFF  }
0xba: {  	_ =	strace $0x90000048  }
0xbb: {  	_ =	sfence  }
0xbc: {  	s30 =	sld [smem:$0x0];
	_ =	sdelay $0x2  }
0xbd: {  	s31 =	sshll.u32 s1, $0xD;
	s1 =	sshrl.u32 s1, $0x2  }
0xbe: {  	s3 =	sand.u32 $0x4000, s31;
	s1 =	sadd.s32 s1, s30  }
0xbf: {  	s0 =	sor.u32 s3, s0;
	s1 =	sshll.u32 s1, $0x11  }
0xc0: {  	s0 =	sor.u32 s1, s0  }
0xc1: {  	s0 =	sadd.s32 $0x8F2B, s0  }
0xc2: {  	[sflag:s0] =	ssyncadd.remote.s32 $0x1  }
0xc3: {  	_ =	sfence.sel $0xFFFF  }
0xc4: {  	[dreg:$0x0] =	wrdreg $0xFFFFFFFF;
	(pc) =	sbr.abs _section_cstart, $3  }
0xc5: {  	[dreg:$0x1] =	wrdreg $0xFFFFFFFF  }
0xc6: {  	_ =	task.clear_ibuf [dreg:s10], $0x2FFFF;
	_ =	strace $0x9FFFFFFF  }
0xc7: {  	(tm) =	ssettm $0x7FFFFFFF  }
tec
execute0_lowered:
.L_overlay_start_1:
0x0: {  	(tag) =	ssettag $0x1  }
0x1: {  	s0 =	rddreg [dreg:$0x0]  }
0x2: {  	s1 =	rddreg [dreg:$0x1]  }
0x3: {  	s2 =	rddreg [dreg:$0x2]  }
0x4: {  	s4 =	rddreg [dreg:$0x3];
	s5 =	srdreg.scid  }
0x5: {  	s3 =	simm.s32 $0x0;
	s6 =	stileid.u32;
	s31 =	simm.s32 $0x6  }
0x6: {  	s30 =	simm.s32 $0xC400;
	s13 =	simm.s32 $0x4;
	s14 =	simm.s32 $0x0  }
0x7: {  	s5 =	sand.u32 $0x1, s5;
	[smem:$0x7FF] =	sst s3;
	s6 =	sshll.u32 s6, $0x9  }
0x8: {  	s18 =	sadd.s32 $0x10, s0;
	s11 =	sadd.s32 $0x20, s0;
	s24 =	sadd.s32 $0x20000, s4  }
0x9: {  	s28 =	sadd.s32 $0x40000, s4;
	s29 =	sadd.s32 $0x60000, s4;
	s7 =	sshll.u32 s5, $0x8  }
0xa: {  	_ =	strace $0x80000047;
	s5 =	ssub.s32 $0x2, s5;
	s6 =	sor.u32 s7, s6  }
0xb: {  	s15 =	sshrl.u32 s5, $0x1;
	s7 =	simm.s32 $0xB;
	s8 =	sshrl.u32 s6, $0x1  }
0xc: {  	s9 =	sor.u32 $0x80, s6;
	s5 =	ssub.s32 s5, s15;
	s6 =	sshll.u32 s6, $0x4  }
0xd: {  	s16 =	sadd.s32 s0, s8;
	s17 =	sshrl.u32 s9, $0x1;
	s12 =	sadd.s32 s8, s18  }
0xe: {  	s19 =	sadd.s32 s8, s11;
	s21 =	sadd.s32 s2, s6;
	[dreg:$0x5] =	wrdreg s16  }
0xf: {  	s22 =	sadd.s32 s4, s6;
	s23 =	sshll.u32 s9, $0x4;
	[dreg:$0x7] =	wrdreg s12  }
0x10: {  	s26 =	sadd.s32 s6, s24;
	s9 =	simm.s32 $0x1;
	[dreg:$0x9] =	wrdreg s19  }
0x11: {  	s10 =	sadd.s32 s0, s17;
	s20 =	sadd.s32 s17, s11;
	[dreg:$0xd] =	wrdreg s21  }
0x12: {  	s0 =	sadd.s32 $0x30, s0;
	[dreg:$0xe] =	wrdreg s22;
	s25 =	sadd.s32 s4, s23  }
0x13: {  	[dreg:$0x10] =	wrdreg s26;
	s2 =	sadd.s32 s23, s24;
	s19 =	sadd.s32 s6, s29  }
0x14: {  	s21 =	smax.u32 s5, $0x1;
	s22 =	simm.s32 $0x80;
	s4 =	simm.s32 $0x8  }
0x15: {  	s5 =	simm.s32 $0x10400;
	s11 =	simm.s32 $0x2;
	[dreg:$0x6] =	wrdreg s10  }
0x16: {  	s12 =	simm.s32 $0x3;
	s24 =	simm.s32 $0x9;
	[dreg:$0xa] =	wrdreg s20  }
0x17: {  	s10 =	sadd.s32 s17, s18;
	s8 =	sadd.s32 s8, s0;
	[dreg:$0xf] =	wrdreg s25  }
0x18: {  	s0 =	sadd.s32 s17, s0;
	[dreg:$0x11] =	wrdreg s2;
	s17 =	sadd.s32 s6, s28  }
0x19: {  	s18 =	sadd.s32 s23, s28;
	s20 =	sadd.s32 s23, s29;
	[dreg:$0x8] =	wrdreg s10  }
0x1a: {  	s2 =	simm.s32 $0x7;
	s6 =	simm.s32 $0xC;
	[dreg:$0xb] =	wrdreg s8  }
0x1b: {  	s23 =	simm.s32 $0x5;
	s25 =	simm.s32 $0xA;
	[dreg:$0xc] =	wrdreg s0  }
0x1c: {  	s0 =	simm.s32 $0x8400;
	s8 =	simm.s32 $0x14400;
	s10 =	simm.s32 $0x18400  }
.LBB2_1:
0x1d: {  	s15 =	rddreg [dreg:$0x5]  }
0x1e: {  	[tilespmem:s3], [sflag:$0x6] =	stream.linear.gather [hbm4b:s15+s3], $0x80, $0x38;
	[tilespmem:$0x1C400] =	vst v63  }
0x1f: {  	s26 =	rddreg [dreg:$0x6]  }
0x20: {  	[tilespmem:s22], [sflag:$0x7] =	stream.linear.gather [hbm4b:s26+s3], $0x80, $0x38;
	[tilespmem:$0x1C400] =	vst v63  }
0x21: {  	s28 =	rddreg [dreg:$0x7];
	s26 =	simm.s32 $0x100  }
0x22: {  	[tilespmem:s26], [sflag:$0x8] =	stream.linear.gather [hbm4b:s28+s3], $0x80, $0x38;
	[tilespmem:$0x1C400] =	vst v63  }
0x23: {  	s16 =	rddreg [dreg:$0x8];
	s28 =	simm.s32 $0x180  }
0x24: {  	[tilespmem:s28], [sflag:$0xC] =	stream.linear.gather [hbm4b:s16+s3], $0x80, $0x38;
	[tilespmem:$0x1C400] =	vst v63  }
0x25: {  	s29 =	simm.s32 $0x200;
	s16 =	rddreg [dreg:$0x9]  }
0x26: {  	[tilespmem:s29], [sflag:$0xC] =	stream.linear.gather [hbm4b:s16+s3], $0x80, $0x38;
	[tilespmem:$0x1C400] =	vst v63  }
0x27: {  	s29 =	simm.s32 $0x280;
	s16 =	rddreg [dreg:$0xa]  }
0x28: {  	[tilespmem:s29], [sflag:$0xC] =	stream.linear.gather [hbm4b:s16+s3], $0x80, $0x38;
	[tilespmem:$0x1C400] =	vst v63  }
0x29: {  	s15 =	rddreg [dreg:$0xb];
	s16 =	simm.s32 $0x300  }
0x2a: {  	[tilespmem:s16], [sflag:$0xC] =	stream.linear.gather [hbm4b:s15+s3], $0x80, $0x38;
	[tilespmem:$0x1C400] =	vst v63  }
0x2b: {  	s15 =	rddreg [dreg:$0xc];
	s16 =	simm.s32 $0x380  }
0x2c: {  	[tilespmem:s16], [sflag:$0xC] =	stream.linear.gather [hbm4b:s15+s3], $0x80, $0x38;
	[tilespmem:$0x1C400] =	vst v63  }
0x2d: {  	s15 =	rddreg [dreg:$0xd];
	s16 =	simm.s32 $0x400  }
0x2e: {  	[tilespmem:s16], [sflag:$0xB] =	stream.linear.gather [hbm4b:s15+s3], $0x8000, $0x38;
	[tilespmem:$0x1C400] =	vst v63  }
0x2f: {  	_ =	swait.ge [sflag:s31], $0x80  }
0x30: {  	[sflag:s31] =	ssyncset.done $0x0  }
0x31: {  	[sflag:s31] =	ssyncadd.s32 $0xFFFFFF80  }
0x32: {  	[tilespmem:s0], [sflag:$0x1] =	stream.indirect.gather [hbm4b:s1+s22], $0x80, s3, s22, $0xb8;
	[tilespmem:$0x1C400] =	vst v63  }
0x33: {  	_ =	swait.ge [sflag:s2], $0x80  }
0x34: {  	[sflag:s2] =	ssyncset.done $0x0  }
0x35: {  	[sflag:s2] =	ssyncadd.s32 $0xFFFFFF80  }
0x36: {  	[tilespmem:s30], [sflag:$0x2] =	stream.indirect.gather [hbm4b:s1+s22], $0x80, s22, s22, $0xb8;
	[tilespmem:$0x1C400] =	vst v63  }
0x37: {  	_ =	swait.ge [sflag:s4], $0x80  }
0x38: {  	[sflag:s4] =	ssyncset.done $0x0  }
0x39: {  	[sflag:s4] =	ssyncadd.s32 $0xFFFFFF80  }
0x3a: {  	[tilespmem:s5], [sflag:$0x3] =	stream.indirect.gather [hbm4b:s1+s22], $0x80, s26, s22, $0xb8;
	[tilespmem:$0x1C400] =	vst v63  }
0x3b: {  	_ =	swait.ge [sflag:s6], $0x80  }
0x3c: {  	[sflag:s6] =	ssyncset.done $0x0  }
0x3d: {  	[sflag:s6] =	ssyncadd.s32 $0xFFFFFF80  }
0x3e: {  	_ =	swait.ge [sflag:s6], $0x80  }
0x3f: {  	[sflag:s6] =	ssyncset.done $0x0  }
0x40: {  	[sflag:s6] =	ssyncadd.s32 $0xFFFFFF80  }
0x41: {  	_ =	swait.ge [sflag:s6], $0x80  }
0x42: {  	[sflag:s6] =	ssyncset.done $0x0  }
0x43: {  	[sflag:s6] =	ssyncadd.s32 $0xFFFFFF80  }
0x44: {  	_ =	swait.ge [sflag:s6], $0x80  }
0x45: {  	[sflag:s6] =	ssyncset.done $0x0  }
0x46: {  	[sflag:s6] =	ssyncadd.s32 $0xFFFFFF80  }
0x47: {  	_ =	swait.ge [sflag:s6], $0x80  }
0x48: {  	[sflag:s6] =	ssyncset.done $0x0  }
0x49: {  	[sflag:s6] =	ssyncadd.s32 $0xFFFFFF80  }
0x4a: {  	_ =	swait.ge [sflag:s7], $0x8000  }
0x4b: {  	[sflag:s7] =	ssyncset.done $0x0  }
0x4c: {  	[sflag:s7] =	ssyncadd.s32 $0xFFFF8000  }
0x4d: {  	[tilespmem:s8], [sflag:$0x4] =	stream.indirect.gather [hbm4b:s1+s22], $0x80, s28, s22, $0xb8;
	[tilespmem:$0x1C400] =	vst v63  }
0x4e: {  	_ =	swait.ge [sflag:s9], $0x4000  }
0x4f: {  	[sflag:s9] =	ssyncset.done $0x0  }
0x50: {  	s26 =	simm.s32 $0x0;
	[sflag:s9] =	ssyncadd.s32 $0xFFFFC000  }
0x51: {  	v7 =	vld [tilespmem:s26+$0x400]  }
0x52: {  	v11 =	vld [tilespmem:s26+$0x410]  }
0x53: {  	v5 =	vld [tilespmem:s26+$0x420]  }
0x54: {  	v4 =	vld [tilespmem:s26+$0x430]  }
0x55: {  	v3 =	vld [tilespmem:s26+$0x440]  }
0x56: {  	v2 =	vld [tilespmem:s26+$0x450]  }
0x57: {  	v1 =	vld [tilespmem:s26+$0x460]  }
0x58: {  	v0 =	vld [tilespmem:s26+$0x470]  }
0x59: {  	v12 =	vld [tilespmem:s26+$0x8400]  }
0x5a: {  	v13 =	vld [tilespmem:s26+$0x8410]  }
0x5b: {  	v10 =	vld [tilespmem:s26+$0x8420]  }
0x5c: {  	v9 =	vld [tilespmem:s26+$0x8430]  }
0x5d: {  	v8 =	vld [tilespmem:s26+$0x8440]  }
0x5e: {  	v6 =	vld [tilespmem:s26+$0x8450];
	v12 =	vadd.f32 v7, v12  }
0x5f: {  	s15 =	simm.s32 $0x200;
	v11 =	vadd.f32 v11, v13;
	v7 =	vld [tilespmem:s26+$0x8460]  }
.LBB2_2:
0x60: {  	s28 =	sshra.s32 s15, $0x2;
	p0 =	sne.s32 s15, $0xFE00;
	[tilespmem:s26+$0x8400] =	vst v12;
	v5 =	vadd.f32 v5, v10;
	v10 =	vld [tilespmem:s26+$0x8470]  }
0x61: {  	v12 =	vld [tilespmem:s28+$0x400];
	[tilespmem:s26+$0x8410] =	vst v11;
	v4 =	vadd.f32 v4, v9  }
0x62: {  	v11 =	vld [tilespmem:s28+$0x410];
	[tilespmem:s26+$0x8420] =	vst v5;
	v3 =	vadd.f32 v3, v8  }
0x63: {  	v5 =	vld [tilespmem:s28+$0x420];
	[tilespmem:s26+$0x8430] =	vst v4;
	v2 =	vadd.f32 v2, v6  }
0x64: {  	v4 =	vld [tilespmem:s28+$0x430];
	[tilespmem:s26+$0x8440] =	vst v3;
	v1 =	vadd.f32 v1, v7  }
0x65: {  	v3 =	vld [tilespmem:s28+$0x440];
	[tilespmem:s26+$0x8450] =	vst v2;
	v0 =	vadd.f32 v0, v10  }
0x66: {  	v2 =	vld [tilespmem:s28+$0x450];
	[tilespmem:s26+$0x8460] =	vst v1  }
0x67: {  	v1 =	vld [tilespmem:s28+$0x460];
	[tilespmem:s26+$0x8470] =	vst v0;
	s26 =	smov.u32 s28  }
0x68: {  	v0 =	vld [tilespmem:s26+$0x470]  }
0x69: {  	v6 =	vld [tilespmem:s26+$0x8400]  }
0x6a: {  	v7 =	vld [tilespmem:s26+$0x8410]  }
.Ltmp0:
0x6b: {  	v10 =	vld [tilespmem:s26+$0x8420];
	(pc) =	sbr.rel @p0 .LBB2_2-.Ltmp0, $4  }
0x6c: {  	v9 =	vld [tilespmem:s26+$0x8430]  }
0x6d: {  	v8 =	vld [tilespmem:s26+$0x8440]  }
0x6e: {  	v12 =	vadd.f32 v12, v6;
	v6 =	vld [tilespmem:s26+$0x8450]  }
0x6f: {  	s15 =	sadd.s32 $0x200, s15;
	v11 =	vadd.f32 v11, v7;
	v7 =	vld [tilespmem:s26+$0x8460]  }
0x70: {  	[tilespmem:s26+$0x8400] =	vst v12;
	v5 =	vadd.f32 v5, v10;
	v10 =	vld [tilespmem:s26+$0x8470]  }
0x71: {  	[tilespmem:s26+$0x8410] =	vst v11;
	v4 =	vadd.f32 v4, v9  }
0x72: {  	[tilespmem:s26+$0x8420] =	vst v5;
	v3 =	vadd.f32 v3, v8  }
0x73: {  	[tilespmem:s26+$0x8430] =	vst v4;
	v2 =	vadd.f32 v2, v6  }
0x74: {  	[tilespmem:s26+$0x8440] =	vst v3;
	v1 =	vadd.f32 v1, v7  }
0x75: {  	[tilespmem:s26+$0x8450] =	vst v2;
	v0 =	vadd.f32 v0, v10  }
0x76: {  	[tilespmem:s26+$0x8460] =	vst v1  }
0x77: {  	s15 =	simm.s32 $0x0;
	s16 =	rddreg [dreg:$0xe];
	[tilespmem:s26+$0x8470] =	vst v0  }
0x78: {  	[hbm4b:s16+s15] =	stream.linear.scatter [tilespmem:s0], [sflag:$0x6], $0x4000, $0x38;
	[tilespmem:$0x1C400] =	vst v63  }
0x79: {  	s28 =	simm.s32 $0x200  }
0x7a: {  	[tilespmem:s10], [sflag:$0x5] =	stream.indirect.gather [hbm4b:s1+s22], $0x80, s28, s22, $0xb8;
	[tilespmem:$0x1C400] =	vst v63  }
0x7b: {  	_ =	swait.ge [sflag:s11], $0x4000  }
0x7c: {  	[sflag:s11] =	ssyncset.done $0x0  }
0x7d: {  	s26 =	simm.s32 $0x0;
	[sflag:s11] =	ssyncadd.s32 $0xFFFFC000  }
0x7e: {  	v7 =	vld [tilespmem:s26+$0x4400]  }
0x7f: {  	v11 =	vld [tilespmem:s26+$0x4410]  }
0x80: {  	v5 =	vld [tilespmem:s26+$0x4420]  }
0x81: {  	v4 =	vld [tilespmem:s26+$0x4430]  }
0x82: {  	v3 =	vld [tilespmem:s26+$0x4440]  }
0x83: {  	v2 =	vld [tilespmem:s26+$0x4450]  }
0x84: {  	v1 =	vld [tilespmem:s26+$0x4460]  }
0x85: {  	v0 =	vld [tilespmem:s26+$0x4470]  }
0x86: {  	v12 =	vld [tilespmem:s26+$0xC400]  }
0x87: {  	v13 =	vld [tilespmem:s26+$0xC410]  }
0x88: {  	v10 =	vld [tilespmem:s26+$0xC420]  }
0x89: {  	v9 =	vld [tilespmem:s26+$0xC430]  }
0x8a: {  	v8 =	vld [tilespmem:s26+$0xC440]  }
0x8b: {  	v6 =	vld [tilespmem:s26+$0xC450];
	v12 =	vadd.f32 v7, v12  }
0x8c: {  	s15 =	simm.s32 $0x200;
	v11 =	vadd.f32 v11, v13;
	v7 =	vld [tilespmem:s26+$0xC460]  }
.LBB2_4:
0x8d: {  	s28 =	sshra.s32 s15, $0x2;
	p0 =	sne.s32 s15, $0xFE00;
	[tilespmem:s26+$0xC400] =	vst v12;
	v5 =	vadd.f32 v5, v10;
	v10 =	vld [tilespmem:s26+$0xC470]  }
0x8e: {  	v12 =	vld [tilespmem:s28+$0x4400];
	[tilespmem:s26+$0xC410] =	vst v11;
	v4 =	vadd.f32 v4, v9  }
0x8f: {  	v11 =	vld [tilespmem:s28+$0x4410];
	[tilespmem:s26+$0xC420] =	vst v5;
	v3 =	vadd.f32 v3, v8  }
0x90: {  	v5 =	vld [tilespmem:s28+$0x4420];
	[tilespmem:s26+$0xC430] =	vst v4;
	v2 =	vadd.f32 v2, v6  }
0x91: {  	v4 =	vld [tilespmem:s28+$0x4430];
	[tilespmem:s26+$0xC440] =	vst v3;
	v1 =	vadd.f32 v1, v7  }
0x92: {  	v3 =	vld [tilespmem:s28+$0x4440];
	[tilespmem:s26+$0xC450] =	vst v2;
	v0 =	vadd.f32 v0, v10  }
0x93: {  	v2 =	vld [tilespmem:s28+$0x4450];
	[tilespmem:s26+$0xC460] =	vst v1  }
0x94: {  	v1 =	vld [tilespmem:s28+$0x4460];
	[tilespmem:s26+$0xC470] =	vst v0;
	s26 =	smov.u32 s28  }
0x95: {  	v0 =	vld [tilespmem:s26+$0x4470]  }
0x96: {  	v6 =	vld [tilespmem:s26+$0xC400]  }
0x97: {  	v7 =	vld [tilespmem:s26+$0xC410]  }
.Ltmp1:
0x98: {  	v10 =	vld [tilespmem:s26+$0xC420];
	(pc) =	sbr.rel @p0 .LBB2_4-.Ltmp1, $4  }
0x99: {  	v9 =	vld [tilespmem:s26+$0xC430]  }
0x9a: {  	v8 =	vld [tilespmem:s26+$0xC440]  }
0x9b: {  	v12 =	vadd.f32 v12, v6;
	v6 =	vld [tilespmem:s26+$0xC450]  }
0x9c: {  	s15 =	sadd.s32 $0x200, s15;
	v11 =	vadd.f32 v11, v7;
	v7 =	vld [tilespmem:s26+$0xC460]  }
0x9d: {  	[tilespmem:s26+$0xC400] =	vst v12;
	v5 =	vadd.f32 v5, v10;
	v10 =	vld [tilespmem:s26+$0xC470]  }
0x9e: {  	[tilespmem:s26+$0xC410] =	vst v11;
	v4 =	vadd.f32 v4, v9  }
0x9f: {  	[tilespmem:s26+$0xC420] =	vst v5;
	v3 =	vadd.f32 v3, v8  }
0xa0: {  	[tilespmem:s26+$0xC430] =	vst v4;
	v2 =	vadd.f32 v2, v6  }
0xa1: {  	[tilespmem:s26+$0xC440] =	vst v3;
	v1 =	vadd.f32 v1, v7  }
0xa2: {  	[tilespmem:s26+$0xC450] =	vst v2;
	v0 =	vadd.f32 v0, v10  }
0xa3: {  	[tilespmem:s26+$0xC460] =	vst v1  }
0xa4: {  	s15 =	simm.s32 $0x0;
	s28 =	rddreg [dreg:$0xf];
	[tilespmem:s26+$0xC470] =	vst v0  }
0xa5: {  	[hbm4b:s28+s15] =	stream.linear.scatter [tilespmem:s30], [sflag:$0x7], $0x4000, $0x38;
	[tilespmem:$0x1C400] =	vst v63  }
0xa6: {  	_ =	swait.ge [sflag:s31], $0x4000  }
0xa7: {  	[sflag:s31] =	ssyncset.done $0x0  }
0xa8: {  	[sflag:s31] =	ssyncadd.s32 $0xFFFFC000  }
0xa9: {  	[tilespmem:s0], [sflag:$0x1] =	stream.indirect.gather [hbm4b:s1+s22], $0x80, s29, s22, $0xb8;
	[tilespmem:$0x1C400] =	vst v63  }
0xaa: {  	_ =	swait.ge [sflag:s12], $0x4000  }
0xab: {  	[sflag:s12] =	ssyncset.done $0x0  }
0xac: {  	s26 =	simm.s32 $0x0;
	[sflag:s12] =	ssyncadd.s32 $0xFFFFC000  }
0xad: {  	v7 =	vld [tilespmem:s26+$0x400]  }
0xae: {  	v11 =	vld [tilespmem:s26+$0x410]  }
0xaf: {  	v5 =	vld [tilespmem:s26+$0x420]  }
0xb0: {  	v4 =	vld [tilespmem:s26+$0x430]  }
0xb1: {  	v3 =	vld [tilespmem:s26+$0x440]  }
0xb2: {  	v2 =	vld [tilespmem:s26+$0x450]  }
0xb3: {  	v1 =	vld [tilespmem:s26+$0x460]  }
0xb4: {  	v0 =	vld [tilespmem:s26+$0x470]  }
0xb5: {  	v12 =	vld [tilespmem:s26+$0x10400]  }
0xb6: {  	v13 =	vld [tilespmem:s26+$0x10410]  }
0xb7: {  	v10 =	vld [tilespmem:s26+$0x10420]  }
0xb8: {  	v9 =	vld [tilespmem:s26+$0x10430]  }
0xb9: {  	v8 =	vld [tilespmem:s26+$0x10440]  }
0xba: {  	v6 =	vld [tilespmem:s26+$0x10450];
	v12 =	vadd.f32 v7, v12  }
0xbb: {  	s15 =	simm.s32 $0x200;
	v11 =	vadd.f32 v11, v13;
	v7 =	vld [tilespmem:s26+$0x10460]  }
.LBB2_6:
0xbc: {  	s28 =	sshra.s32 s15, $0x2;
	p0 =	sne.s32 s15, $0xFE00;
	[tilespmem:s26+$0x10400] =	vst v12;
	v5 =	vadd.f32 v5, v10;
	v10 =	vld [tilespmem:s26+$0x10470]  }
0xbd: {  	v12 =	vld [tilespmem:s28+$0x400];
	[tilespmem:s26+$0x10410] =	vst v11;
	v4 =	vadd.f32 v4, v9  }
0xbe: {  	v11 =	vld [tilespmem:s28+$0x410];
	[tilespmem:s26+$0x10420] =	vst v5;
	v3 =	vadd.f32 v3, v8  }
0xbf: {  	v5 =	vld [tilespmem:s28+$0x420];
	[tilespmem:s26+$0x10430] =	vst v4;
	v2 =	vadd.f32 v2, v6  }
0xc0: {  	v4 =	vld [tilespmem:s28+$0x430];
	[tilespmem:s26+$0x10440] =	vst v3;
	v1 =	vadd.f32 v1, v7  }
0xc1: {  	v3 =	vld [tilespmem:s28+$0x440];
	[tilespmem:s26+$0x10450] =	vst v2;
	v0 =	vadd.f32 v0, v10  }
0xc2: {  	v2 =	vld [tilespmem:s28+$0x450];
	[tilespmem:s26+$0x10460] =	vst v1  }
0xc3: {  	v1 =	vld [tilespmem:s28+$0x460];
	[tilespmem:s26+$0x10470] =	vst v0;
	s26 =	smov.u32 s28  }
0xc4: {  	v0 =	vld [tilespmem:s26+$0x470]  }
0xc5: {  	v6 =	vld [tilespmem:s26+$0x10400]  }
0xc6: {  	v7 =	vld [tilespmem:s26+$0x10410]  }
.Ltmp2:
0xc7: {  	v10 =	vld [tilespmem:s26+$0x10420];
	(pc) =	sbr.rel @p0 .LBB2_6-.Ltmp2, $4  }
0xc8: {  	v9 =	vld [tilespmem:s26+$0x10430]  }
0xc9: {  	v8 =	vld [tilespmem:s26+$0x10440]  }
0xca: {  	v12 =	vadd.f32 v12, v6;
	v6 =	vld [tilespmem:s26+$0x10450]  }
0xcb: {  	s15 =	sadd.s32 $0x200, s15;
	v11 =	vadd.f32 v11, v7;
	v7 =	vld [tilespmem:s26+$0x10460]  }
0xcc: {  	[tilespmem:s26+$0x10400] =	vst v12;
	v5 =	vadd.f32 v5, v10;
	v10 =	vld [tilespmem:s26+$0x10470]  }
0xcd: {  	[tilespmem:s26+$0x10410] =	vst v11;
	v4 =	vadd.f32 v4, v9  }
0xce: {  	[tilespmem:s26+$0x10420] =	vst v5;
	v3 =	vadd.f32 v3, v8  }
0xcf: {  	[tilespmem:s26+$0x10430] =	vst v4;
	v2 =	vadd.f32 v2, v6  }
0xd0: {  	[tilespmem:s26+$0x10440] =	vst v3;
	v1 =	vadd.f32 v1, v7  }
0xd1: {  	[tilespmem:s26+$0x10450] =	vst v2;
	v0 =	vadd.f32 v0, v10  }
0xd2: {  	[tilespmem:s26+$0x10460] =	vst v1  }
0xd3: {  	s15 =	simm.s32 $0x0;
	s28 =	rddreg [dreg:$0x10];
	[tilespmem:s26+$0x10470] =	vst v0  }
0xd4: {  	[hbm4b:s28+s15] =	stream.linear.scatter [tilespmem:s5], [sflag:$0x8], $0x4000, $0x38;
	[tilespmem:$0x1C400] =	vst v63  }
0xd5: {  	_ =	swait.ge [sflag:s2], $0x4000  }
0xd6: {  	[sflag:s2] =	ssyncset.done $0x0  }
0xd7: {  	s29 =	simm.s32 $0x300;
	[sflag:s2] =	ssyncadd.s32 $0xFFFFC000  }
0xd8: {  	[tilespmem:s30], [sflag:$0x2] =	stream.indirect.gather [hbm4b:s1+s22], $0x80, s29, s22, $0xb8;
	[tilespmem:$0x1C400] =	vst v63  }
0xd9: {  	_ =	swait.ge [sflag:s13], $0x4000  }
0xda: {  	[sflag:s13] =	ssyncset.done $0x0  }
0xdb: {  	s26 =	simm.s32 $0x0;
	[sflag:s13] =	ssyncadd.s32 $0xFFFFC000  }
0xdc: {  	v7 =	vld [tilespmem:s26+$0x4400]  }
0xdd: {  	v11 =	vld [tilespmem:s26+$0x4410]  }
0xde: {  	v5 =	vld [tilespmem:s26+$0x4420]  }
0xdf: {  	v4 =	vld [tilespmem:s26+$0x4430]  }
0xe0: {  	v3 =	vld [tilespmem:s26+$0x4440]  }
0xe1: {  	v2 =	vld [tilespmem:s26+$0x4450]  }
0xe2: {  	v1 =	vld [tilespmem:s26+$0x4460]  }
0xe3: {  	v0 =	vld [tilespmem:s26+$0x4470]  }
0xe4: {  	v12 =	vld [tilespmem:s26+$0x14400]  }
0xe5: {  	v13 =	vld [tilespmem:s26+$0x14410]  }
0xe6: {  	v10 =	vld [tilespmem:s26+$0x14420]  }
0xe7: {  	v9 =	vld [tilespmem:s26+$0x14430]  }
0xe8: {  	v8 =	vld [tilespmem:s26+$0x14440]  }
0xe9: {  	v6 =	vld [tilespmem:s26+$0x14450];
	v12 =	vadd.f32 v7, v12  }
0xea: {  	s15 =	simm.s32 $0x200;
	v11 =	vadd.f32 v11, v13;
	v7 =	vld [tilespmem:s26+$0x14460]  }
.LBB2_8:
0xeb: {  	s28 =	sshra.s32 s15, $0x2;
	p0 =	sne.s32 s15, $0xFE00;
	[tilespmem:s26+$0x14400] =	vst v12;
	v5 =	vadd.f32 v5, v10;
	v10 =	vld [tilespmem:s26+$0x14470]  }
0xec: {  	v12 =	vld [tilespmem:s28+$0x4400];
	[tilespmem:s26+$0x14410] =	vst v11;
	v4 =	vadd.f32 v4, v9  }
0xed: {  	v11 =	vld [tilespmem:s28+$0x4410];
	[tilespmem:s26+$0x14420] =	vst v5;
	v3 =	vadd.f32 v3, v8  }
0xee: {  	v5 =	vld [tilespmem:s28+$0x4420];
	[tilespmem:s26+$0x14430] =	vst v4;
	v2 =	vadd.f32 v2, v6  }
0xef: {  	v4 =	vld [tilespmem:s28+$0x4430];
	[tilespmem:s26+$0x14440] =	vst v3;
	v1 =	vadd.f32 v1, v7  }
0xf0: {  	v3 =	vld [tilespmem:s28+$0x4440];
	[tilespmem:s26+$0x14450] =	vst v2;
	v0 =	vadd.f32 v0, v10  }
0xf1: {  	v2 =	vld [tilespmem:s28+$0x4450];
	[tilespmem:s26+$0x14460] =	vst v1  }
0xf2: {  	v1 =	vld [tilespmem:s28+$0x4460];
	[tilespmem:s26+$0x14470] =	vst v0;
	s26 =	smov.u32 s28  }
0xf3: {  	v0 =	vld [tilespmem:s26+$0x4470]  }
0xf4: {  	v6 =	vld [tilespmem:s26+$0x14400]  }
0xf5: {  	v7 =	vld [tilespmem:s26+$0x14410]  }
.Ltmp3:
0xf6: {  	v10 =	vld [tilespmem:s26+$0x14420];
	(pc) =	sbr.rel @p0 .LBB2_8-.Ltmp3, $4  }
0xf7: {  	v9 =	vld [tilespmem:s26+$0x14430]  }
0xf8: {  	v8 =	vld [tilespmem:s26+$0x14440]  }
0xf9: {  	v12 =	vadd.f32 v12, v6;
	v6 =	vld [tilespmem:s26+$0x14450]  }
0xfa: {  	s15 =	sadd.s32 $0x200, s15;
	v11 =	vadd.f32 v11, v7;
	v7 =	vld [tilespmem:s26+$0x14460]  }
0xfb: {  	[tilespmem:s26+$0x14400] =	vst v12;
	v5 =	vadd.f32 v5, v10;
	v10 =	vld [tilespmem:s26+$0x14470]  }
0xfc: {  	[tilespmem:s26+$0x14410] =	vst v11;
	v4 =	vadd.f32 v4, v9  }
0xfd: {  	[tilespmem:s26+$0x14420] =	vst v5;
	v3 =	vadd.f32 v3, v8  }
0xfe: {  	[tilespmem:s26+$0x14430] =	vst v4;
	v2 =	vadd.f32 v2, v6  }
0xff: {  	[tilespmem:s26+$0x14440] =	vst v3;
	v1 =	vadd.f32 v1, v7  }
0x100: {  	[tilespmem:s26+$0x14450] =	vst v2;
	v0 =	vadd.f32 v0, v10  }
0x101: {  	[tilespmem:s26+$0x14460] =	vst v1  }
0x102: {  	s15 =	simm.s32 $0x0;
	s16 =	rddreg [dreg:$0x11];
	[tilespmem:s26+$0x14470] =	vst v0  }
0x103: {  	[hbm4b:s16+s15] =	stream.linear.scatter [tilespmem:s8], [sflag:$0x9], $0x4000, $0x38;
	[tilespmem:$0x1C400] =	vst v63  }
0x104: {  	_ =	swait.ge [sflag:s4], $0x4000  }
0x105: {  	[sflag:s4] =	ssyncset.done $0x0  }
0x106: {  	s29 =	simm.s32 $0x380;
	[sflag:s4] =	ssyncadd.s32 $0xFFFFC000  }
0x107: {  	[tilespmem:s5], [sflag:$0x3] =	stream.indirect.gather [hbm4b:s1+s22], $0x80, s29, s22, $0xb8;
	[tilespmem:$0x1C400] =	vst v63  }
0x108: {  	_ =	swait.ge [sflag:s23], $0x4000  }
0x109: {  	[sflag:s23] =	ssyncset.done $0x0  }
0x10a: {  	s26 =	simm.s32 $0x0;
	[sflag:s23] =	ssyncadd.s32 $0xFFFFC000  }
0x10b: {  	v7 =	vld [tilespmem:s26+$0x400]  }
0x10c: {  	v11 =	vld [tilespmem:s26+$0x410]  }
0x10d: {  	v5 =	vld [tilespmem:s26+$0x420]  }
0x10e: {  	v4 =	vld [tilespmem:s26+$0x430]  }
0x10f: {  	v3 =	vld [tilespmem:s26+$0x440]  }
0x110: {  	v2 =	vld [tilespmem:s26+$0x450]  }
0x111: {  	v1 =	vld [tilespmem:s26+$0x460]  }
0x112: {  	v0 =	vld [tilespmem:s26+$0x470]  }
0x113: {  	v12 =	vld [tilespmem:s26+$0x18400]  }
0x114: {  	v13 =	vld [tilespmem:s26+$0x18410]  }
0x115: {  	v10 =	vld [tilespmem:s26+$0x18420]  }
0x116: {  	v9 =	vld [tilespmem:s26+$0x18430]  }
0x117: {  	v8 =	vld [tilespmem:s26+$0x18440]  }
0x118: {  	v6 =	vld [tilespmem:s26+$0x18450];
	v12 =	vadd.f32 v7, v12  }
0x119: {  	s15 =	simm.s32 $0x200;
	v11 =	vadd.f32 v11, v13;
	v7 =	vld [tilespmem:s26+$0x18460]  }
.LBB2_10:
0x11a: {  	s28 =	sshra.s32 s15, $0x2;
	p0 =	sne.s32 s15, $0xFE00;
	[tilespmem:s26+$0x18400] =	vst v12;
	v5 =	vadd.f32 v5, v10;
	v10 =	vld [tilespmem:s26+$0x18470]  }
0x11b: {  	v12 =	vld [tilespmem:s28+$0x400];
	[tilespmem:s26+$0x18410] =	vst v11;
	v4 =	vadd.f32 v4, v9  }
0x11c: {  	v11 =	vld [tilespmem:s28+$0x410];
	[tilespmem:s26+$0x18420] =	vst v5;
	v3 =	vadd.f32 v3, v8  }
0x11d: {  	v5 =	vld [tilespmem:s28+$0x420];
	[tilespmem:s26+$0x18430] =	vst v4;
	v2 =	vadd.f32 v2, v6  }
0x11e: {  	v4 =	vld [tilespmem:s28+$0x430];
	[tilespmem:s26+$0x18440] =	vst v3;
	v1 =	vadd.f32 v1, v7  }
0x11f: {  	v3 =	vld [tilespmem:s28+$0x440];
	[tilespmem:s26+$0x18450] =	vst v2;
	v0 =	vadd.f32 v0, v10  }
0x120: {  	v2 =	vld [tilespmem:s28+$0x450];
	[tilespmem:s26+$0x18460] =	vst v1  }
0x121: {  	v1 =	vld [tilespmem:s28+$0x460];
	[tilespmem:s26+$0x18470] =	vst v0;
	s26 =	smov.u32 s28  }
0x122: {  	v0 =	vld [tilespmem:s26+$0x470]  }
0x123: {  	v6 =	vld [tilespmem:s26+$0x18400]  }
0x124: {  	v7 =	vld [tilespmem:s26+$0x18410]  }
.Ltmp4:
0x125: {  	v10 =	vld [tilespmem:s26+$0x18420];
	(pc) =	sbr.rel @p0 .LBB2_10-.Ltmp4, $4  }
0x126: {  	v9 =	vld [tilespmem:s26+$0x18430]  }
0x127: {  	v8 =	vld [tilespmem:s26+$0x18440]  }
0x128: {  	v12 =	vadd.f32 v12, v6;
	v6 =	vld [tilespmem:s26+$0x18450]  }
0x129: {  	s15 =	sadd.s32 $0x200, s15;
	v11 =	vadd.f32 v11, v7;
	v7 =	vld [tilespmem:s26+$0x18460]  }
0x12a: {  	[tilespmem:s26+$0x18400] =	vst v12;
	v5 =	vadd.f32 v5, v10;
	v10 =	vld [tilespmem:s26+$0x18470]  }
0x12b: {  	[tilespmem:s26+$0x18410] =	vst v11;
	v4 =	vadd.f32 v4, v9  }
0x12c: {  	[tilespmem:s26+$0x18420] =	vst v5;
	v3 =	vadd.f32 v3, v8  }
0x12d: {  	[tilespmem:s26+$0x18430] =	vst v4;
	v2 =	vadd.f32 v2, v6  }
0x12e: {  	[tilespmem:s26+$0x18440] =	vst v3;
	v1 =	vadd.f32 v1, v7  }
0x12f: {  	[tilespmem:s26+$0x18450] =	vst v2;
	v0 =	vadd.f32 v0, v10  }
0x130: {  	[tilespmem:s26+$0x18460] =	vst v1  }
0x131: {  	s15 =	simm.s32 $0x0;
	[tilespmem:s26+$0x18470] =	vst v0  }
0x132: {  	[hbm4b:s17+s15] =	stream.linear.scatter [tilespmem:s10], [sflag:$0xA], $0x4000, $0x38;
	[tilespmem:$0x1C400] =	vst v63  }
0x133: {  	_ =	swait.ge [sflag:s9], $0x4000  }
0x134: {  	[sflag:s9] =	ssyncset.done $0x0  }
0x135: {  	s26 =	simm.s32 $0x0;
	[sflag:s9] =	ssyncadd.s32 $0xFFFFC000  }
0x136: {  	v7 =	vld [tilespmem:s26+$0x4400]  }
0x137: {  	v11 =	vld [tilespmem:s26+$0x4410]  }
0x138: {  	v5 =	vld [tilespmem:s26+$0x4420]  }
0x139: {  	v4 =	vld [tilespmem:s26+$0x4430]  }
0x13a: {  	v3 =	vld [tilespmem:s26+$0x4440]  }
0x13b: {  	v2 =	vld [tilespmem:s26+$0x4450]  }
0x13c: {  	v1 =	vld [tilespmem:s26+$0x4460]  }
0x13d: {  	v0 =	vld [tilespmem:s26+$0x4470]  }
0x13e: {  	v12 =	vld [tilespmem:s26+$0x8400]  }
0x13f: {  	v13 =	vld [tilespmem:s26+$0x8410]  }
0x140: {  	v10 =	vld [tilespmem:s26+$0x8420]  }
0x141: {  	v9 =	vld [tilespmem:s26+$0x8430]  }
0x142: {  	v8 =	vld [tilespmem:s26+$0x8440]  }
0x143: {  	v6 =	vld [tilespmem:s26+$0x8450];
	v12 =	vadd.f32 v7, v12  }
0x144: {  	s15 =	simm.s32 $0x200;
	v11 =	vadd.f32 v11, v13;
	v7 =	vld [tilespmem:s26+$0x8460]  }
.LBB2_12:
0x145: {  	s28 =	sshra.s32 s15, $0x2;
	p0 =	sne.s32 s15, $0xFE00;
	[tilespmem:s26+$0x8400] =	vst v12;
	v5 =	vadd.f32 v5, v10;
	v10 =	vld [tilespmem:s26+$0x8470]  }
0x146: {  	v12 =	vld [tilespmem:s28+$0x4400];
	[tilespmem:s26+$0x8410] =	vst v11;
	v4 =	vadd.f32 v4, v9  }
0x147: {  	v11 =	vld [tilespmem:s28+$0x4410];
	[tilespmem:s26+$0x8420] =	vst v5;
	v3 =	vadd.f32 v3, v8  }
0x148: {  	v5 =	vld [tilespmem:s28+$0x4420];
	[tilespmem:s26+$0x8430] =	vst v4;
	v2 =	vadd.f32 v2, v6  }
0x149: {  	v4 =	vld [tilespmem:s28+$0x4430];
	[tilespmem:s26+$0x8440] =	vst v3;
	v1 =	vadd.f32 v1, v7  }
0x14a: {  	v3 =	vld [tilespmem:s28+$0x4440];
	[tilespmem:s26+$0x8450] =	vst v2;
	v0 =	vadd.f32 v0, v10  }
0x14b: {  	v2 =	vld [tilespmem:s28+$0x4450];
	[tilespmem:s26+$0x8460] =	vst v1  }
0x14c: {  	v1 =	vld [tilespmem:s28+$0x4460];
	[tilespmem:s26+$0x8470] =	vst v0;
	s26 =	smov.u32 s28  }
0x14d: {  	v0 =	vld [tilespmem:s26+$0x4470]  }
0x14e: {  	v6 =	vld [tilespmem:s26+$0x8400]  }
0x14f: {  	v7 =	vld [tilespmem:s26+$0x8410]  }
.Ltmp5:
0x150: {  	v10 =	vld [tilespmem:s26+$0x8420];
	(pc) =	sbr.rel @p0 .LBB2_12-.Ltmp5, $4  }
0x151: {  	v9 =	vld [tilespmem:s26+$0x8430]  }
0x152: {  	v8 =	vld [tilespmem:s26+$0x8440]  }
0x153: {  	v12 =	vadd.f32 v12, v6;
	v6 =	vld [tilespmem:s26+$0x8450]  }
0x154: {  	s15 =	sadd.s32 $0x200, s15;
	v11 =	vadd.f32 v11, v7;
	v7 =	vld [tilespmem:s26+$0x8460]  }
0x155: {  	[tilespmem:s26+$0x8400] =	vst v12;
	v5 =	vadd.f32 v5, v10;
	v10 =	vld [tilespmem:s26+$0x8470]  }
0x156: {  	[tilespmem:s26+$0x8410] =	vst v11;
	v4 =	vadd.f32 v4, v9  }
0x157: {  	[tilespmem:s26+$0x8420] =	vst v5;
	v3 =	vadd.f32 v3, v8  }
0x158: {  	[tilespmem:s26+$0x8430] =	vst v4;
	v2 =	vadd.f32 v2, v6  }
0x159: {  	[tilespmem:s26+$0x8440] =	vst v3;
	v1 =	vadd.f32 v1, v7  }
0x15a: {  	[tilespmem:s26+$0x8450] =	vst v2;
	v0 =	vadd.f32 v0, v10  }
0x15b: {  	[tilespmem:s26+$0x8460] =	vst v1  }
0x15c: {  	s15 =	simm.s32 $0x0;
	[tilespmem:s26+$0x8470] =	vst v0  }
0x15d: {  	[hbm4b:s18+s15] =	stream.linear.scatter [tilespmem:s0], [sflag:$0x6], $0x4000, $0x38;
	[tilespmem:$0x1C400] =	vst v63  }
0x15e: {  	_ =	swait.ge [sflag:s11], $0x4000  }
0x15f: {  	[sflag:s11] =	ssyncset.done $0x0  }
0x160: {  	s26 =	simm.s32 $0x0;
	[sflag:s11] =	ssyncadd.s32 $0xFFFFC000  }
0x161: {  	v7 =	vld [tilespmem:s26+$0x400]  }
0x162: {  	v11 =	vld [tilespmem:s26+$0x410]  }
0x163: {  	v5 =	vld [tilespmem:s26+$0x420]  }
0x164: {  	v4 =	vld [tilespmem:s26+$0x430]  }
0x165: {  	v3 =	vld [tilespmem:s26+$0x440]  }
0x166: {  	v2 =	vld [tilespmem:s26+$0x450]  }
0x167: {  	v1 =	vld [tilespmem:s26+$0x460]  }
0x168: {  	v0 =	vld [tilespmem:s26+$0x470]  }
0x169: {  	v12 =	vld [tilespmem:s26+$0xC400]  }
0x16a: {  	v13 =	vld [tilespmem:s26+$0xC410]  }
0x16b: {  	v10 =	vld [tilespmem:s26+$0xC420]  }
0x16c: {  	v9 =	vld [tilespmem:s26+$0xC430]  }
0x16d: {  	v8 =	vld [tilespmem:s26+$0xC440]  }
0x16e: {  	v6 =	vld [tilespmem:s26+$0xC450];
	v12 =	vadd.f32 v7, v12  }
0x16f: {  	s15 =	simm.s32 $0x200;
	v11 =	vadd.f32 v11, v13;
	v7 =	vld [tilespmem:s26+$0xC460]  }
.LBB2_14:
0x170: {  	s28 =	sshra.s32 s15, $0x2;
	p0 =	sne.s32 s15, $0xFE00;
	[tilespmem:s26+$0xC400] =	vst v12;
	v5 =	vadd.f32 v5, v10;
	v10 =	vld [tilespmem:s26+$0xC470]  }
0x171: {  	v12 =	vld [tilespmem:s28+$0x400];
	[tilespmem:s26+$0xC410] =	vst v11;
	v4 =	vadd.f32 v4, v9  }
0x172: {  	v11 =	vld [tilespmem:s28+$0x410];
	[tilespmem:s26+$0xC420] =	vst v5;
	v3 =	vadd.f32 v3, v8  }
0x173: {  	v5 =	vld [tilespmem:s28+$0x420];
	[tilespmem:s26+$0xC430] =	vst v4;
	v2 =	vadd.f32 v2, v6  }
0x174: {  	v4 =	vld [tilespmem:s28+$0x430];
	[tilespmem:s26+$0xC440] =	vst v3;
	v1 =	vadd.f32 v1, v7  }
0x175: {  	v3 =	vld [tilespmem:s28+$0x440];
	[tilespmem:s26+$0xC450] =	vst v2;
	v0 =	vadd.f32 v0, v10  }
0x176: {  	v2 =	vld [tilespmem:s28+$0x450];
	[tilespmem:s26+$0xC460] =	vst v1  }
0x177: {  	v1 =	vld [tilespmem:s28+$0x460];
	[tilespmem:s26+$0xC470] =	vst v0;
	s26 =	smov.u32 s28  }
0x178: {  	v0 =	vld [tilespmem:s26+$0x470]  }
0x179: {  	v6 =	vld [tilespmem:s26+$0xC400]  }
0x17a: {  	v7 =	vld [tilespmem:s26+$0xC410]  }
.Ltmp6:
0x17b: {  	v10 =	vld [tilespmem:s26+$0xC420];
	(pc) =	sbr.rel @p0 .LBB2_14-.Ltmp6, $4  }
0x17c: {  	v9 =	vld [tilespmem:s26+$0xC430]  }
0x17d: {  	v8 =	vld [tilespmem:s26+$0xC440]  }
0x17e: {  	v12 =	vadd.f32 v12, v6;
	v6 =	vld [tilespmem:s26+$0xC450]  }
0x17f: {  	s15 =	sadd.s32 $0x200, s15;
	v11 =	vadd.f32 v11, v7;
	v7 =	vld [tilespmem:s26+$0xC460]  }
0x180: {  	[tilespmem:s26+$0xC400] =	vst v12;
	v5 =	vadd.f32 v5, v10;
	v10 =	vld [tilespmem:s26+$0xC470]  }
0x181: {  	[tilespmem:s26+$0xC410] =	vst v11;
	v4 =	vadd.f32 v4, v9  }
0x182: {  	[tilespmem:s26+$0xC420] =	vst v5;
	v3 =	vadd.f32 v3, v8  }
0x183: {  	[tilespmem:s26+$0xC430] =	vst v4;
	v2 =	vadd.f32 v2, v6  }
0x184: {  	[tilespmem:s26+$0xC440] =	vst v3;
	v1 =	vadd.f32 v1, v7  }
0x185: {  	[tilespmem:s26+$0xC450] =	vst v2;
	v0 =	vadd.f32 v0, v10  }
0x186: {  	[tilespmem:s26+$0xC460] =	vst v1  }
0x187: {  	s15 =	simm.s32 $0x0;
	[tilespmem:s26+$0xC470] =	vst v0  }
0x188: {  	[hbm4b:s19+s15] =	stream.linear.scatter [tilespmem:s30], [sflag:$0x7], $0x4000, $0x38;
	[tilespmem:$0x1C400] =	vst v63  }
0x189: {  	_ =	swait.ge [sflag:s12], $0x4000  }
0x18a: {  	[sflag:s12] =	ssyncset.done $0x0  }
0x18b: {  	s26 =	simm.s32 $0x0;
	[sflag:s12] =	ssyncadd.s32 $0xFFFFC000  }
0x18c: {  	v7 =	vld [tilespmem:s26+$0x4400]  }
0x18d: {  	v11 =	vld [tilespmem:s26+$0x4410]  }
0x18e: {  	v5 =	vld [tilespmem:s26+$0x4420]  }
0x18f: {  	v4 =	vld [tilespmem:s26+$0x4430]  }
0x190: {  	v3 =	vld [tilespmem:s26+$0x4440]  }
0x191: {  	v2 =	vld [tilespmem:s26+$0x4450]  }
0x192: {  	v1 =	vld [tilespmem:s26+$0x4460]  }
0x193: {  	v0 =	vld [tilespmem:s26+$0x4470]  }
0x194: {  	v12 =	vld [tilespmem:s26+$0x10400]  }
0x195: {  	v13 =	vld [tilespmem:s26+$0x10410]  }
0x196: {  	v10 =	vld [tilespmem:s26+$0x10420]  }
0x197: {  	v9 =	vld [tilespmem:s26+$0x10430]  }
0x198: {  	v8 =	vld [tilespmem:s26+$0x10440]  }
0x199: {  	v6 =	vld [tilespmem:s26+$0x10450];
	v12 =	vadd.f32 v7, v12  }
0x19a: {  	s15 =	simm.s32 $0x200;
	v11 =	vadd.f32 v11, v13;
	v7 =	vld [tilespmem:s26+$0x10460]  }
.LBB2_16:
0x19b: {  	s28 =	sshra.s32 s15, $0x2;
	p0 =	sne.s32 s15, $0xFE00;
	[tilespmem:s26+$0x10400] =	vst v12;
	v5 =	vadd.f32 v5, v10;
	v10 =	vld [tilespmem:s26+$0x10470]  }
0x19c: {  	v12 =	vld [tilespmem:s28+$0x4400];
	[tilespmem:s26+$0x10410] =	vst v11;
	v4 =	vadd.f32 v4, v9  }
0x19d: {  	v11 =	vld [tilespmem:s28+$0x4410];
	[tilespmem:s26+$0x10420] =	vst v5;
	v3 =	vadd.f32 v3, v8  }
0x19e: {  	v5 =	vld [tilespmem:s28+$0x4420];
	[tilespmem:s26+$0x10430] =	vst v4;
	v2 =	vadd.f32 v2, v6  }
0x19f: {  	v4 =	vld [tilespmem:s28+$0x4430];
	[tilespmem:s26+$0x10440] =	vst v3;
	v1 =	vadd.f32 v1, v7  }
0x1a0: {  	v3 =	vld [tilespmem:s28+$0x4440];
	[tilespmem:s26+$0x10450] =	vst v2;
	v0 =	vadd.f32 v0, v10  }
0x1a1: {  	v2 =	vld [tilespmem:s28+$0x4450];
	[tilespmem:s26+$0x10460] =	vst v1  }
0x1a2: {  	v1 =	vld [tilespmem:s28+$0x4460];
	[tilespmem:s26+$0x10470] =	vst v0;
	s26 =	smov.u32 s28  }
0x1a3: {  	v0 =	vld [tilespmem:s26+$0x4470]  }
0x1a4: {  	v6 =	vld [tilespmem:s26+$0x10400]  }
0x1a5: {  	v7 =	vld [tilespmem:s26+$0x10410]  }
.Ltmp7:
0x1a6: {  	v10 =	vld [tilespmem:s26+$0x10420];
	(pc) =	sbr.rel @p0 .LBB2_16-.Ltmp7, $4  }
0x1a7: {  	v9 =	vld [tilespmem:s26+$0x10430]  }
0x1a8: {  	v8 =	vld [tilespmem:s26+$0x10440]  }
0x1a9: {  	v12 =	vadd.f32 v12, v6;
	v6 =	vld [tilespmem:s26+$0x10450]  }
0x1aa: {  	s15 =	sadd.s32 $0x200, s15;
	v11 =	vadd.f32 v11, v7;
	v7 =	vld [tilespmem:s26+$0x10460]  }
0x1ab: {  	[tilespmem:s26+$0x10400] =	vst v12;
	v5 =	vadd.f32 v5, v10;
	v63 =	vld [tilespmem:s26+$0x10470]  }
0x1ac: {  	[tilespmem:s26+$0x10410] =	vst v11;
	v4 =	vadd.f32 v4, v9  }
0x1ad: {  	[tilespmem:s26+$0x10420] =	vst v5;
	v3 =	vadd.f32 v3, v8  }
0x1ae: {  	[tilespmem:s26+$0x10430] =	vst v4;
	v2 =	vadd.f32 v2, v6  }
0x1af: {  	[tilespmem:s26+$0x10440] =	vst v3;
	v1 =	vadd.f32 v1, v7  }
0x1b0: {  	[tilespmem:s26+$0x10450] =	vst v2;
	v0 =	vadd.f32 v0, v63  }
0x1b1: {  	[tilespmem:s26+$0x10460] =	vst v1  }
0x1b2: {  	[tilespmem:s26+$0x10470] =	vst v0  }
0x1b3: {  	[hbm4b:s20+s3] =	stream.linear.scatter [tilespmem:s5], [sflag:$0x8], $0x4000, $0x38;
	[tilespmem:$0x1C400] =	vst v63  }
0x1b4: {  	_ =	swait.ge [sflag:s31], $0x4000  }
0x1b5: {  	[sflag:s31] =	ssyncset.done $0x0  }
0x1b6: {  	[sflag:s31] =	ssyncadd.s32 $0xFFFFC000  }
0x1b7: {  	_ =	swait.ge [sflag:s2], $0x4000  }
0x1b8: {  	[sflag:s2] =	ssyncset.done $0x0  }
0x1b9: {  	[sflag:s2] =	ssyncadd.s32 $0xFFFFC000  }
0x1ba: {  	_ =	swait.ge [sflag:s4], $0x4000  }
0x1bb: {  	[sflag:s4] =	ssyncset.done $0x0  }
0x1bc: {  	s14 =	sadd.s32 $0x1, s14;
	[sflag:s4] =	ssyncadd.s32 $0xFFFFC000  }
0x1bd: {  	p0 =	sne.s32 s14, s21;
	_ =	swait.ge [sflag:s24], $0x4000  }
.Ltmp8:
0x1be: {  	[sflag:s24] =	ssyncset.done $0x0;
	(pc) =	sbr.rel @p0 .LBB2_1-.Ltmp8, $4  }
0x1bf: {  	[sflag:s24] =	ssyncadd.s32 $0xFFFFC000  }
0x1c0: {  	_ =	swait.ge [sflag:s25], $0x4000  }
0x1c1: {  	[sflag:s25] =	ssyncset.done $0x0  }
0x1c2: {  	[sflag:s25] =	ssyncadd.s32 $0xFFFFC000  }
0x1c3: {  	_ =	sfence.sel $0x180000  }
0x1c4: {  	[bflag:$0x0] =	sbarrier.arrive $0xFFFF  }
0x1c5: {  	_ =	strace $0x90000047  }
0x1c6: {  	s0 =	stileid.u32;
	[bflag:$0x2] =	sbarrier.arrive $0xFFFF  }
0x1c7: {  	p0 =	sne.s32 s0, $0x0;
	s0 =	rddreg [dreg:$0x4]  }
0x1c8: {  	s0 =	sadd.s32 @!p0 $0x100000, s0  }
0x1c9: {  	[sflag:s0] =	ssyncadd.tile.s32 @!p0 $0x1;
	_ =	shalt  }
.Lfunc_end2:
_tile_overlayer_lowered:
.L_overlay_start_2:
0x1ca: {  	(tag) =	ssettag $0x2  }
0x1cb: {  	s0 =	rddreg [dreg:$0x0];
	s2 =	stileid.u32  }
0x1cc: {  	s1 =	rddreg [dreg:$0x1];
	p0 =	sne.s32 s2, $0x0  }
0x1cd: {  	s3 =	rddreg [dreg:$0x2];
	[bflag:$0x3] =	sbarrier.arrive $0xFFFF;
	s2 =	simm.s32 @!p0 $0x1C0D  }
0x1ce: {  	[timem:s3], [sflag:s2] =	dma.local @!p0 [hbm:s0], s1  }
0x1cf: {  	s0 =	simm.s32 @!p0 $0xD  }
0x1d0: {  	_ =	swait.ge @!p0 [sflag:s0], s1  }
0x1d1: {  	s1 =	ssub.s32 @!p0 $0x0, s1;
	[sflag:s0] =	ssyncset.done @!p0 $0x0  }
0x1d2: {  	[sflag:s0] =	ssyncadd.s32 @!p0 s1  }
0x1d3: {  	[bflag:$0x3] =	sbarrier.arrive $0xFFFF  }
0x1d4: {  	_ =	shalt  }

</sc_bundles>
